<compile_context>
chip_gen: v7x
topology: tpu7x:2x2x1
jax: 0.10.2.dev20260603
libtpu: 0.0.44.dev20260713+nightly
codegen_flags: <defaults>
</compile_context>

<pallas_src>
import functools

import jax
import jax.numpy as jnp
from jax import lax
from jax.experimental import pallas as pl
from jax.experimental.pallas import tpu as pltpu
from jax.experimental.pallas import tpu_sc as plsc

B, C, K = 4096, 26, 1000
CP = 32
NC, NS = 2, 16
NW = NC * NS
BPW = B // NW
L = 16
KT = K // 8
G = 25
NG = KT // G
NU = C * NG

_mesh = plsc.VectorSubcoreMesh(core_axis_name="c", subcore_axis_name="s")


@functools.partial(
    pl.kernel,
    mesh=_mesh,
    out_type=jax.ShapeDtypeStruct((C, K, B), jnp.int32),
    compiler_params=pltpu.CompilerParams(
        needs_layout_passes=False, disable_bounds_checks=True),
    scratch_types=[
        pltpu.VMEM((BPW * CP,), jnp.int32),
        pltpu.VMEM((G * 8, 128), jnp.int32),
        pltpu.VMEM((G * 8, 128), jnp.int32),
        pltpu.SemaphoreType.DMA,
        pltpu.SemaphoreType.DMA,
    ],
)
def _onehot_sc(x_hbm, out_hbm, xl, buf_a, buf_b, sem_a, sem_b):
    wid = lax.axis_index("s") * NC + lax.axis_index("c")
    b0 = wid * BPW

    pltpu.sync_copy(x_hbm.at[pl.ds(b0 * CP, BPW * CP)], xl)

    zeros = jnp.zeros((L,), jnp.int32)
    ones = jnp.ones((L,), jnp.int32)
    iota = lax.iota(jnp.int32, L)

    def zfill(r, _):
        def zfill_chunk(j, _):
            o = pl.multiple_of(j * L, L)
            buf_a[r, pl.ds(o, L)] = zeros
            buf_b[r, pl.ds(o, L)] = zeros
            return 0
        return lax.fori_loop(0, 128 // L, zfill_chunk, 0)

    lax.fori_loop(0, G * 8, zfill, 0)

    def scatter(buf, u, what):
        c = u // NG
        kt0 = (u % NG) * G

        def chunk(j, _):
            lanes = j * L + iota
            v = plsc.load_gather(xl, [lanes * CP + c])
            kt = v >> 3
            m = (kt >= kt0) & (kt < kt0 + G)
            plsc.store_scatter(buf, [(kt - kt0) * 8 + (v & 7), lanes], what,
                               mask=m)
            return 0

        lax.fori_loop(0, BPW // L, chunk, 0)

    def fire(buf, u, sem):
        scatter(buf, u, ones)
        c = u // NG
        kt0 = (u % NG) * G

        def issue(t, _):
            ks = pl.multiple_of((kt0 + t) * 8, 8)
            bs = pl.multiple_of(b0, 128)
            pltpu.async_copy(
                buf.at[pl.ds(pl.multiple_of(t * 8, 8), 8)],
                out_hbm.at[c, pl.ds(ks, 8), pl.ds(bs, 128)], sem)
            return 0

        lax.fori_loop(0, G, issue, 0)

    def drain(buf, sem):
        pltpu.make_async_copy(
            out_hbm.at[0, pl.ds(0, G * 8), pl.ds(0, 128)], buf, sem).wait()

    fire(buf_a, 0, sem_a)
    fire(buf_b, 1, sem_b)

    def step(p, _):
        u = 2 * p
        drain(buf_a, sem_a)
        scatter(buf_a, u - 2, zeros)
        fire(buf_a, u, sem_a)
        drain(buf_b, sem_b)
        scatter(buf_b, u - 1, zeros)
        fire(buf_b, u + 1, sem_b)
        return 0

    lax.fori_loop(1, NU // 2, step, 0)

    drain(buf_a, sem_a)
    drain(buf_b, sem_b)


def kernel(x):
    xp = jnp.pad(x, ((0, 0), (0, CP - C)))
    out = _onehot_sc(xp.reshape(B * CP))
    return jnp.transpose(out, (2, 0, 1))

# --- scband reference (transcript-rebuilt; emitter-appended) ---
"""Pipeline reference for scband-one-hot-embedding-19902878450184 (READ-ONLY COPY).

The authoritative reference and input builder live on the scoring server;
editing this copy changes nothing except your own understanding.
"""

import jax, jax.numpy as jnp
import numpy as np

NUM_CLASSES = 1000

def setup_inputs(seed: int = 0) -> dict:
    key = jax.random.key(seed)
    x = jax.random.randint(key, (4096, 26), 0, NUM_CLASSES, dtype=jnp.int32)
    return {"x": x}

def reference(x) -> jnp.ndarray:
    # Faithful translation of torch.nn.functional.one_hot(x, num_classes=NUM_CLASSES).
    # torch returns an integer tensor; jax.nn.one_hot supports an explicit dtype.
    # (int64 -> int32 since jax x64 is disabled by default.)
    return jax.nn.one_hot(x, NUM_CLASSES, dtype=jnp.int32)

if __name__ == "__main__":
    import jax
    _d = setup_inputs()
    print(jax.jit(kernel)(*tuple(_d.values())))

</pallas_src>

<mosaic_0001>
#map = affine_map<(d0, d1) -> (0)>
#map1 = affine_map<(d0, d1) -> (0, 0, 0)>
module attributes {stable_mosaic.version = 14 : i64} {
  func.func @_onehot_sc(%arg0: i32, %arg1: i32, %arg2: memref<131072xi32, #tpu.memory_space<hbm>>, %arg3: memref<26x1000x4096xi32, #tpu.memory_space<hbm>>, %arg4: memref<4096xi32, #tpu.memory_space<vmem>>, %arg5: memref<200x128xi32, #tpu.memory_space<vmem>>, %arg6: memref<200x128xi32, #tpu.memory_space<vmem>>, %arg7: memref<!tpu.dma_semaphore, #tpu.memory_space<semaphore_mem>>, %arg8: memref<!tpu.dma_semaphore, #tpu.memory_space<semaphore_mem>>) attributes {dimension_semantics = [#tpu.dimension_semantics<core_parallel>, #tpu.dimension_semantics<subcore_parallel>], iteration_bounds = array<i64: 2, 16>, scalar_prefetch = 0 : i64, scratch_operands = 5 : i64, tpu.core_type = #tpu.core_type<sc_vector_subcore>, window_params = [{transform_indices = #map}, {transform_indices = #map1}]} {
    %mul3A = arith.constant 2 : i32
    %mul3A_0 = arith.muli %arg1, %mul3A : i32
    %add3A = arith.addi %mul3A_0, %arg0 : i32
    %mul3A_1 = arith.constant 128 : i32
    %mul3A_2 = arith.muli %add3A, %mul3A_1 : i32
    %mul3A_3 = arith.constant 32 : i32
    %mul3A_4 = arith.muli %mul3A_2, %mul3A_3 : i32
    "tpu.region"() ({
      %run_scoped3A = tpu.sem_alloc : memref<!tpu.dma_semaphore, #tpu.memory_space<semaphore_mem>>
      %dma_start3A = tpu.memref_slice %arg2[%mul3A_4] : memref<131072xi32, #tpu.memory_space<hbm>> -> memref<4096xi32, #tpu.memory_space<hbm>>
      %dma_start3A_66 = tpu.memref_slice %arg2[%mul3A_4] : memref<131072xi32, #tpu.memory_space<hbm>> -> memref<4096xi32, #tpu.memory_space<hbm>>
      tpu.enqueue_dma source(%dma_start3A_66 : memref<4096xi32, #tpu.memory_space<hbm>>) target(%arg4 : memref<4096xi32, #tpu.memory_space<vmem>>) target_semaphore(%run_scoped3A : memref<!tpu.dma_semaphore, #tpu.memory_space<semaphore_mem>>)
      %dma_wait3A_67 = tpu.memref_slice %arg2[%mul3A_4] : memref<131072xi32, #tpu.memory_space<hbm>> -> memref<4096xi32, #tpu.memory_space<hbm>>
      %dma_wait3A_68 = tpu.memref_slice %arg2[%mul3A_4] : memref<131072xi32, #tpu.memory_space<hbm>> -> memref<4096xi32, #tpu.memory_space<hbm>>
      tpu.wait_dma2 semaphore(%run_scoped3A : memref<!tpu.dma_semaphore, #tpu.memory_space<semaphore_mem>>) src(%dma_wait3A_68 : memref<4096xi32, #tpu.memory_space<hbm>>) dst(%arg4 : memref<4096xi32, #tpu.memory_space<vmem>>)
      tpu.yield
    }) : () -> ()
    %broadcast_in_dim3A = arith.constant 0 : i32
    %broadcast_in_dim3A_5 = vector.broadcast %broadcast_in_dim3A : i32 to vector<16xi32>
    %broadcast_in_dim3A_6 = arith.constant 1 : i32
    %broadcast_in_dim3A_7 = vector.broadcast %broadcast_in_dim3A_6 : i32 to vector<16xi32>
    %iota3A = tpu.iota {dimensions = array<i32: 0>} : vector<16xi32>
    %scan3A = arith.constant 0 : i32
    %scan3A_8 = arith.constant 0 : i32
    %scan3A_9 = arith.constant 200 : i32
    %scan3A_10 = arith.addi %scan3A_8, %scan3A_9 : i32
    %scan3A_11 = arith.constant 1 : i32
    %scan3A_12 = scf.for %scan3A_66 = %scan3A_8 to %scan3A_10 step %scan3A_11 iter_args(%scan3A_67 = %scan3A) -> (i32)  : i32 {
      %scan3A_68 = arith.constant 0 : i32
      %scan3A_69 = arith.constant 0 : i32
      %scan3A_70 = arith.constant 8 : i32
      %scan3A_71 = arith.addi %scan3A_69, %scan3A_70 : i32
      %scan3A_72 = arith.constant 1 : i32
      %scan3A_73 = scf.for %scan3A_75 = %scan3A_69 to %scan3A_71 step %scan3A_72 iter_args(%scan3A_76 = %scan3A_68) -> (i32)  : i32 {
        %mul3A_77 = arith.constant 16 : i32
        %mul3A_78 = arith.muli %scan3A_75, %mul3A_77 : i32
        %multiple_of3A = tpu.assume_multiple %mul3A_78, 16 : i32
        %swap3A = arith.index_cast %scan3A_66 : i32 to index
        %swap3A_79 = arith.index_cast %multiple_of3A : i32 to index
        %swap3A_80 = tpu.vector_load %arg5[%swap3A, %swap3A_79] {strides = array<i32>} : memref<200x128xi32, #tpu.memory_space<vmem>>, vector<16xi32>,
        tpu.vector_store %arg5[%swap3A, %swap3A_79], %broadcast_in_dim3A_5 {strides = array<i32>} : memref<200x128xi32, #tpu.memory_space<vmem>>, vector<16xi32>,
        %swap3A_81 = arith.index_cast %scan3A_66 : i32 to index
        %swap3A_82 = arith.index_cast %multiple_of3A : i32 to index
        %swap3A_83 = tpu.vector_load %arg6[%swap3A_81, %swap3A_82] {strides = array<i32>} : memref<200x128xi32, #tpu.memory_space<vmem>>, vector<16xi32>,
        tpu.vector_store %arg6[%swap3A_81, %swap3A_82], %broadcast_in_dim3A_5 {strides = array<i32>} : memref<200x128xi32, #tpu.memory_space<vmem>>, vector<16xi32>,
        %scan3A_84 = arith.constant 0 : i32
        scf.yield %scan3A_84 : i32
      }
      %scan3A_74 = arith.constant 8 : i32
      scf.yield %scan3A_73 : i32
    }
    %scan3A_13 = arith.constant 200 : i32
    %scan3A_14 = arith.constant 0 : i32
    %scan3A_15 = arith.constant 0 : i32
    %scan3A_16 = arith.constant 8 : i32
    %scan3A_17 = arith.addi %scan3A_15, %scan3A_16 : i32
    %scan3A_18 = arith.constant 1 : i32
    %scan3A_19 = scf.for %scan3A_66 = %scan3A_15 to %scan3A_17 step %scan3A_18 iter_args(%scan3A_67 = %scan3A_14) -> (i32)  : i32 {
      %mul3A_68 = arith.constant 16 : i32
      %mul3A_69 = arith.muli %scan3A_66, %mul3A_68 : i32
      %add3A_70 = vector.broadcast %mul3A_69 : i32 to vector<16xi32>
      %add3A_71 = arith.addi %add3A_70, %iota3A : vector<16xi32>
      %mul3A_72 = arith.constant 32 : i32
      %mul3A_73 = vector.broadcast %mul3A_72 : i32 to vector<16xi32>
      %mul3A_74 = arith.muli %add3A_71, %mul3A_73 : vector<16xi32>
      %add3A_75 = arith.constant 0 : i32
      %add3A_76 = vector.broadcast %add3A_75 : i32 to vector<16xi32>
      %add3A_77 = arith.addi %mul3A_74, %add3A_76 : vector<16xi32>
      %gather3A = tpu.vector_load_idx %arg4[%add3A_77] : memref<4096xi32, #tpu.memory_space<vmem>>[vector<16xi32>], vector<16xi32>,
      %shift_right_arithmetic3A = arith.constant 3 : i32
      %shift_right_arithmetic3A_78 = vector.broadcast %shift_right_arithmetic3A : i32 to vector<16xi32>
      %shift_right_arithmetic3A_79 = arith.shrsi %gather3A, %shift_right_arithmetic3A_78 : vector<16xi32>
      %ge3A = arith.constant 0 : i32
      %ge3A_80 = vector.broadcast %ge3A : i32 to vector<16xi32>
      %ge3A_81 = arith.cmpi sge, %shift_right_arithmetic3A_79, %ge3A_80 : vector<16xi32>
      %lt3A = arith.constant 25 : i32
      %lt3A_82 = vector.broadcast %lt3A : i32 to vector<16xi32>
      %lt3A_83 = arith.cmpi slt, %shift_right_arithmetic3A_79, %lt3A_82 : vector<16xi32>
      %and3A = arith.andi %ge3A_81, %lt3A_83 : vector<16xi1>
      %sub3A = arith.constant 0 : i32
      %sub3A_84 = vector.broadcast %sub3A : i32 to vector<16xi32>
      %sub3A_85 = arith.subi %shift_right_arithmetic3A_79, %sub3A_84 : vector<16xi32>
      %mul3A_86 = arith.constant 8 : i32
      %mul3A_87 = vector.broadcast %mul3A_86 : i32 to vector<16xi32>
      %mul3A_88 = arith.muli %sub3A_85, %mul3A_87 : vector<16xi32>
      %and3A_89 = arith.constant 7 : i32
      %and3A_90 = vector.broadcast %and3A_89 : i32 to vector<16xi32>
      %and3A_91 = arith.andi %gather3A, %and3A_90 : vector<16xi32>
      %add3A_92 = arith.addi %mul3A_88, %and3A_91 : vector<16xi32>
      tpu.vector_store_idx %arg5[%add3A_92, %add3A_71], %broadcast_in_dim3A_7 masked %and3A : memref<200x128xi32, #tpu.memory_space<vmem>>[vector<16xi32>, vector<16xi32>], vector<16xi32>, vector<16xi1>
      %scan3A_93 = arith.constant 0 : i32
      scf.yield %scan3A_93 : i32
    }
    %scan3A_20 = arith.constant 8 : i32
    %scan3A_21 = arith.constant 0 : i32
    %scan3A_22 = arith.constant 0 : i32
    %scan3A_23 = arith.constant 25 : i32
    %scan3A_24 = arith.addi %scan3A_22, %scan3A_23 : i32
    %scan3A_25 = arith.constant 1 : i32
    %scan3A_26 = scf.for %scan3A_66 = %scan3A_22 to %scan3A_24 step %scan3A_25 iter_args(%scan3A_67 = %scan3A_21) -> (i32)  : i32 {
      %add3A_68 = arith.constant 0 : i32
      %add3A_69 = arith.addi %add3A_68, %scan3A_66 : i32
      %mul3A_70 = arith.constant 8 : i32
      %mul3A_71 = arith.muli %add3A_69, %mul3A_70 : i32
      %multiple_of3A = tpu.assume_multiple %mul3A_71, 8 : i32
      %multiple_of3A_72 = tpu.assume_multiple %mul3A_2, 128 : i32
      %mul3A_73 = arith.constant 8 : i32
      %mul3A_74 = arith.muli %scan3A_66, %mul3A_73 : i32
      %multiple_of3A_75 = tpu.assume_multiple %mul3A_74, 8 : i32
      %dma_start3A = arith.constant 0 : i32
      %dma_start3A_76 = arith.constant 0 : i32
      %dma_start3A_77 = tpu.memref_slice %arg5[%multiple_of3A_75, %dma_start3A_76] : memref<200x128xi32, #tpu.memory_space<vmem>> -> memref<8x128xi32, #tpu.memory_space<vmem>>
      %dma_start3A_78 = tpu.memref_slice %arg3[%dma_start3A, %multiple_of3A, %multiple_of3A_72] : memref<26x1000x4096xi32, #tpu.memory_space<hbm>> -> memref<1x8x128xi32, #tpu.memory_space<hbm>>
      %dma_start3A_79 = tpu.memref_squeeze %dma_start3A_78 : memref<1x8x128xi32, #tpu.memory_space<hbm>> -> memref<8x128xi32, #tpu.memory_space<hbm>>
      %dma_start3A_80 = tpu.memref_slice %arg3[%dma_start3A, %multiple_of3A, %multiple_of3A_72] : memref<26x1000x4096xi32, #tpu.memory_space<hbm>> -> memref<1x8x128xi32, #tpu.memory_space<hbm>>
      %dma_start3A_81 = tpu.memref_squeeze %dma_start3A_80 : memref<1x8x128xi32, #tpu.memory_space<hbm>> -> memref<8x128xi32, #tpu.memory_space<hbm>>
      %dma_start3A_82 = arith.constant 0 : i32
      %dma_start3A_83 = tpu.memref_slice %arg5[%multiple_of3A_75, %dma_start3A_82] : memref<200x128xi32, #tpu.memory_space<vmem>> -> memref<8x128xi32, #tpu.memory_space<vmem>>
      tpu.enqueue_dma source(%dma_start3A_83 : memref<8x128xi32, #tpu.memory_space<vmem>>) target(%dma_start3A_81 : memref<8x128xi32, #tpu.memory_space<hbm>>) target_semaphore(%arg7 : memref<!tpu.dma_semaphore, #tpu.memory_space<semaphore_mem>>)
      %scan3A_84 = arith.constant 0 : i32
      scf.yield %scan3A_84 : i32
    }
    %scan3A_27 = arith.constant 25 : i32
    %scan3A_28 = arith.constant 0 : i32
    %scan3A_29 = arith.constant 0 : i32
    %scan3A_30 = arith.constant 8 : i32
    %scan3A_31 = arith.addi %scan3A_29, %scan3A_30 : i32
    %scan3A_32 = arith.constant 1 : i32
    %scan3A_33 = scf.for %scan3A_66 = %scan3A_29 to %scan3A_31 step %scan3A_32 iter_args(%scan3A_67 = %scan3A_28) -> (i32)  : i32 {
      %mul3A_68 = arith.constant 16 : i32
      %mul3A_69 = arith.muli %scan3A_66, %mul3A_68 : i32
      %add3A_70 = vector.broadcast %mul3A_69 : i32 to vector<16xi32>
      %add3A_71 = arith.addi %add3A_70, %iota3A : vector<16xi32>
      %mul3A_72 = arith.constant 32 : i32
      %mul3A_73 = vector.broadcast %mul3A_72 : i32 to vector<16xi32>
      %mul3A_74 = arith.muli %add3A_71, %mul3A_73 : vector<16xi32>
      %add3A_75 = arith.constant 0 : i32
      %add3A_76 = vector.broadcast %add3A_75 : i32 to vector<16xi32>
      %add3A_77 = arith.addi %mul3A_74, %add3A_76 : vector<16xi32>
      %gather3A = tpu.vector_load_idx %arg4[%add3A_77] : memref<4096xi32, #tpu.memory_space<vmem>>[vector<16xi32>], vector<16xi32>,
      %shift_right_arithmetic3A = arith.constant 3 : i32
      %shift_right_arithmetic3A_78 = vector.broadcast %shift_right_arithmetic3A : i32 to vector<16xi32>
      %shift_right_arithmetic3A_79 = arith.shrsi %gather3A, %shift_right_arithmetic3A_78 : vector<16xi32>
      %ge3A = arith.constant 25 : i32
      %ge3A_80 = vector.broadcast %ge3A : i32 to vector<16xi32>
      %ge3A_81 = arith.cmpi sge, %shift_right_arithmetic3A_79, %ge3A_80 : vector<16xi32>
      %lt3A = arith.constant 50 : i32
      %lt3A_82 = vector.broadcast %lt3A : i32 to vector<16xi32>
      %lt3A_83 = arith.cmpi slt, %shift_right_arithmetic3A_79, %lt3A_82 : vector<16xi32>
      %and3A = arith.andi %ge3A_81, %lt3A_83 : vector<16xi1>
      %sub3A = arith.constant 25 : i32
      %sub3A_84 = vector.broadcast %sub3A : i32 to vector<16xi32>
      %sub3A_85 = arith.subi %shift_right_arithmetic3A_79, %sub3A_84 : vector<16xi32>
      %mul3A_86 = arith.constant 8 : i32
      %mul3A_87 = vector.broadcast %mul3A_86 : i32 to vector<16xi32>
      %mul3A_88 = arith.muli %sub3A_85, %mul3A_87 : vector<16xi32>
      %and3A_89 = arith.constant 7 : i32
      %and3A_90 = vector.broadcast %and3A_89 : i32 to vector<16xi32>
      %and3A_91 = arith.andi %gather3A, %and3A_90 : vector<16xi32>
      %add3A_92 = arith.addi %mul3A_88, %and3A_91 : vector<16xi32>
      tpu.vector_store_idx %arg6[%add3A_92, %add3A_71], %broadcast_in_dim3A_7 masked %and3A : memref<200x128xi32, #tpu.memory_space<vmem>>[vector<16xi32>, vector<16xi32>], vector<16xi32>, vector<16xi1>
      %scan3A_93 = arith.constant 0 : i32
      scf.yield %scan3A_93 : i32
    }
    %scan3A_34 = arith.constant 8 : i32
    %scan3A_35 = arith.constant 0 : i32
    %scan3A_36 = arith.constant 0 : i32
    %scan3A_37 = arith.constant 25 : i32
    %scan3A_38 = arith.addi %scan3A_36, %scan3A_37 : i32
    %scan3A_39 = arith.constant 1 : i32
    %scan3A_40 = scf.for %scan3A_66 = %scan3A_36 to %scan3A_38 step %scan3A_39 iter_args(%scan3A_67 = %scan3A_35) -> (i32)  : i32 {
      %add3A_68 = arith.constant 25 : i32
      %add3A_69 = arith.addi %add3A_68, %scan3A_66 : i32
      %mul3A_70 = arith.constant 8 : i32
      %mul3A_71 = arith.muli %add3A_69, %mul3A_70 : i32
      %multiple_of3A = tpu.assume_multiple %mul3A_71, 8 : i32
      %multiple_of3A_72 = tpu.assume_multiple %mul3A_2, 128 : i32
      %mul3A_73 = arith.constant 8 : i32
      %mul3A_74 = arith.muli %scan3A_66, %mul3A_73 : i32
      %multiple_of3A_75 = tpu.assume_multiple %mul3A_74, 8 : i32
      %dma_start3A = arith.constant 0 : i32
      %dma_start3A_76 = arith.constant 0 : i32
      %dma_start3A_77 = tpu.memref_slice %arg6[%multiple_of3A_75, %dma_start3A_76] : memref<200x128xi32, #tpu.memory_space<vmem>> -> memref<8x128xi32, #tpu.memory_space<vmem>>
      %dma_start3A_78 = tpu.memref_slice %arg3[%dma_start3A, %multiple_of3A, %multiple_of3A_72] : memref<26x1000x4096xi32, #tpu.memory_space<hbm>> -> memref<1x8x128xi32, #tpu.memory_space<hbm>>
      %dma_start3A_79 = tpu.memref_squeeze %dma_start3A_78 : memref<1x8x128xi32, #tpu.memory_space<hbm>> -> memref<8x128xi32, #tpu.memory_space<hbm>>
      %dma_start3A_80 = tpu.memref_slice %arg3[%dma_start3A, %multiple_of3A, %multiple_of3A_72] : memref<26x1000x4096xi32, #tpu.memory_space<hbm>> -> memref<1x8x128xi32, #tpu.memory_space<hbm>>
      %dma_start3A_81 = tpu.memref_squeeze %dma_start3A_80 : memref<1x8x128xi32, #tpu.memory_space<hbm>> -> memref<8x128xi32, #tpu.memory_space<hbm>>
      %dma_start3A_82 = arith.constant 0 : i32
      %dma_start3A_83 = tpu.memref_slice %arg6[%multiple_of3A_75, %dma_start3A_82] : memref<200x128xi32, #tpu.memory_space<vmem>> -> memref<8x128xi32, #tpu.memory_space<vmem>>
      tpu.enqueue_dma source(%dma_start3A_83 : memref<8x128xi32, #tpu.memory_space<vmem>>) target(%dma_start3A_81 : memref<8x128xi32, #tpu.memory_space<hbm>>) target_semaphore(%arg8 : memref<!tpu.dma_semaphore, #tpu.memory_space<semaphore_mem>>)
      %scan3A_84 = arith.constant 0 : i32
      scf.yield %scan3A_84 : i32
    }
    %scan3A_41 = arith.constant 25 : i32
    %scan3A_42 = arith.constant 0 : i32
    %scan3A_43 = arith.constant 1 : i32
    %scan3A_44 = arith.constant 64 : i32
    %scan3A_45 = arith.addi %scan3A_43, %scan3A_44 : i32
    %scan3A_46 = arith.constant 1 : i32
    %scan3A_47 = scf.for %scan3A_66 = %scan3A_43 to %scan3A_45 step %scan3A_46 iter_args(%scan3A_67 = %scan3A_42) -> (i32)  : i32 {
      %mul3A_68 = arith.constant 2 : i32
      %mul3A_69 = arith.muli %mul3A_68, %scan3A_66 : i32
      %dma_wait3A_70 = arith.constant 0 : i32
      %dma_wait3A_71 = arith.constant 0 : i32
      %dma_wait3A_72 = arith.constant 0 : i32
      %dma_wait3A_73 = tpu.memref_slice %arg3[%dma_wait3A_70, %dma_wait3A_71, %dma_wait3A_72] : memref<26x1000x4096xi32, #tpu.memory_space<hbm>> -> memref<1x200x128xi32, #tpu.memory_space<hbm>>
      %dma_wait3A_74 = tpu.memref_squeeze %dma_wait3A_73 : memref<1x200x128xi32, #tpu.memory_space<hbm>> -> memref<200x128xi32, #tpu.memory_space<hbm>>
      %dma_wait3A_75 = arith.constant 0 : i32
      %dma_wait3A_76 = arith.constant 0 : i32
      %dma_wait3A_77 = tpu.memref_slice %arg3[%dma_wait3A_70, %dma_wait3A_75, %dma_wait3A_76] : memref<26x1000x4096xi32, #tpu.memory_space<hbm>> -> memref<1x200x128xi32, #tpu.memory_space<hbm>>
      %dma_wait3A_78 = tpu.memref_squeeze %dma_wait3A_77 : memref<1x200x128xi32, #tpu.memory_space<hbm>> -> memref<200x128xi32, #tpu.memory_space<hbm>>
      tpu.wait_dma2 semaphore(%arg7 : memref<!tpu.dma_semaphore, #tpu.memory_space<semaphore_mem>>) src(%dma_wait3A_78 : memref<200x128xi32, #tpu.memory_space<hbm>>) dst(%arg5 : memref<200x128xi32, #tpu.memory_space<vmem>>)
      %sub3A = arith.constant 2 : i32
      %sub3A_79 = arith.subi %mul3A_69, %sub3A : i32
      %jit3A = arith.constant 5 : i32
      %div3A = arith.divsi %sub3A_79, %jit3A : i32
      %sign3A = arith.constant 0 : i32
      %sign3A_80 = arith.cmpi sgt, %sub3A_79, %sign3A : i32
      %sign3A_81 = arith.extui %sign3A_80 : i1 to i32
      %sign3A_82 = arith.constant 0 : i32
      %sign3A_83 = arith.cmpi slt, %sub3A_79, %sign3A_82 : i32
      %sign3A_84 = arith.extui %sign3A_83 : i1 to i32
      %sign3A_85 = arith.subi %sign3A_81, %sign3A_84 : i32
      %sign3A_86 = arith.constant 0 : i32
      %sign3A_87 = arith.cmpi sgt, %jit3A, %sign3A_86 : i32
      %sign3A_88 = arith.extui %sign3A_87 : i1 to i32
      %sign3A_89 = arith.constant 0 : i32
      %sign3A_90 = arith.cmpi slt, %jit3A, %sign3A_89 : i32
      %sign3A_91 = arith.extui %sign3A_90 : i1 to i32
      %sign3A_92 = arith.subi %sign3A_88, %sign3A_91 : i32
      %ne3A = arith.cmpi ne, %sign3A_85, %sign3A_92 : i32
      %rem3A = arith.remsi %sub3A_79, %jit3A : i32
      %ne3A_93 = arith.constant 0 : i32
      %ne3A_94 = arith.cmpi ne, %rem3A, %ne3A_93 : i32
      %and3A = arith.andi %ne3A, %ne3A_94 : i1
      %sub3A_95 = arith.constant 1 : i32
      %sub3A_96 = arith.subi %div3A, %sub3A_95 : i32
      %select_n3A = arith.select %and3A, %sub3A_96, %div3A : i32
      %jit3A_97 = arith.constant 5 : i32
      %eq3A = arith.constant 0 : i32
      %eq3A_98 = arith.cmpi eq, %jit3A_97, %eq3A : i32
      %jit3A_99 = arith.constant 1 : i32
      %select_n3A_100 = arith.select %eq3A_98, %jit3A_99, %jit3A_97 : i32
      %rem3A_101 = arith.remsi %sub3A_79, %select_n3A_100 : i32
      %ne3A_102 = arith.constant 0 : i32
      %ne3A_103 = arith.cmpi ne, %rem3A_101, %ne3A_102 : i32
      %lt3A = arith.constant 0 : i32
      %lt3A_104 = arith.cmpi slt, %rem3A_101, %lt3A : i32
      %lt3A_105 = arith.constant 0 : i32
      %lt3A_106 = arith.cmpi slt, %select_n3A_100, %lt3A_105 : i32
      %ne3A_107 = arith.xori %lt3A_104, %lt3A_106 : i1
      %and3A_108 = arith.andi %ne3A_107, %ne3A_103 : i1
      %add3A_109 = arith.addi %rem3A_101, %select_n3A_100 : i32
      %select_n3A_110 = arith.select %and3A_108, %add3A_109, %rem3A_101 : i32
      %mul3A_111 = arith.constant 25 : i32
      %mul3A_112 = arith.muli %select_n3A_110, %mul3A_111 : i32
      %scan3A_113 = arith.constant 0 : i32
      %scan3A_114 = arith.constant 0 : i32
      %scan3A_115 = arith.constant 8 : i32
      %scan3A_116 = arith.addi %scan3A_114, %scan3A_115 : i32
      %scan3A_117 = arith.constant 1 : i32
      %scan3A_118 = scf.for %scan3A_379 = %scan3A_114 to %scan3A_116 step %scan3A_117 iter_args(%scan3A_380 = %scan3A_113) -> (i32)  : i32 {
        %mul3A_381 = arith.constant 16 : i32
        %mul3A_382 = arith.muli %scan3A_379, %mul3A_381 : i32
        %add3A_383 = vector.broadcast %mul3A_382 : i32 to vector<16xi32>
        %add3A_384 = arith.addi %add3A_383, %iota3A : vector<16xi32>
        %mul3A_385 = arith.constant 32 : i32
        %mul3A_386 = vector.broadcast %mul3A_385 : i32 to vector<16xi32>
        %mul3A_387 = arith.muli %add3A_384, %mul3A_386 : vector<16xi32>
        %add3A_388 = vector.broadcast %select_n3A : i32 to vector<16xi32>
        %add3A_389 = arith.addi %mul3A_387, %add3A_388 : vector<16xi32>
        %gather3A = tpu.vector_load_idx %arg4[%add3A_389] : memref<4096xi32, #tpu.memory_space<vmem>>[vector<16xi32>], vector<16xi32>,
        %shift_right_arithmetic3A = arith.constant 3 : i32
        %shift_right_arithmetic3A_390 = vector.broadcast %shift_right_arithmetic3A : i32 to vector<16xi32>
        %shift_right_arithmetic3A_391 = arith.shrsi %gather3A, %shift_right_arithmetic3A_390 : vector<16xi32>
        %ge3A = vector.broadcast %mul3A_112 : i32 to vector<16xi32>
        %ge3A_392 = arith.cmpi sge, %shift_right_arithmetic3A_391, %ge3A : vector<16xi32>
        %add3A_393 = arith.constant 25 : i32
        %add3A_394 = arith.addi %mul3A_112, %add3A_393 : i32
        %lt3A_395 = vector.broadcast %add3A_394 : i32 to vector<16xi32>
        %lt3A_396 = arith.cmpi slt, %shift_right_arithmetic3A_391, %lt3A_395 : vector<16xi32>
        %and3A_397 = arith.andi %ge3A_392, %lt3A_396 : vector<16xi1>
        %sub3A_398 = vector.broadcast %mul3A_112 : i32 to vector<16xi32>
        %sub3A_399 = arith.subi %shift_right_arithmetic3A_391, %sub3A_398 : vector<16xi32>
        %mul3A_400 = arith.constant 8 : i32
        %mul3A_401 = vector.broadcast %mul3A_400 : i32 to vector<16xi32>
        %mul3A_402 = arith.muli %sub3A_399, %mul3A_401 : vector<16xi32>
        %and3A_403 = arith.constant 7 : i32
        %and3A_404 = vector.broadcast %and3A_403 : i32 to vector<16xi32>
        %and3A_405 = arith.andi %gather3A, %and3A_404 : vector<16xi32>
        %add3A_406 = arith.addi %mul3A_402, %and3A_405 : vector<16xi32>
        tpu.vector_store_idx %arg5[%add3A_406, %add3A_384], %broadcast_in_dim3A_5 masked %and3A_397 : memref<200x128xi32, #tpu.memory_space<vmem>>[vector<16xi32>, vector<16xi32>], vector<16xi32>, vector<16xi1>
        %scan3A_407 = arith.constant 0 : i32
        scf.yield %scan3A_407 : i32
      }
      %scan3A_119 = arith.constant 8 : i32
      %jit3A_120 = arith.constant 5 : i32
      %div3A_121 = arith.divsi %mul3A_69, %jit3A_120 : i32
      %sign3A_122 = arith.constant 0 : i32
      %sign3A_123 = arith.cmpi sgt, %mul3A_69, %sign3A_122 : i32
      %sign3A_124 = arith.extui %sign3A_123 : i1 to i32
      %sign3A_125 = arith.constant 0 : i32
      %sign3A_126 = arith.cmpi slt, %mul3A_69, %sign3A_125 : i32
      %sign3A_127 = arith.extui %sign3A_126 : i1 to i32
      %sign3A_128 = arith.subi %sign3A_124, %sign3A_127 : i32
      %sign3A_129 = arith.constant 0 : i32
      %sign3A_130 = arith.cmpi sgt, %jit3A_120, %sign3A_129 : i32
      %sign3A_131 = arith.extui %sign3A_130 : i1 to i32
      %sign3A_132 = arith.constant 0 : i32
      %sign3A_133 = arith.cmpi slt, %jit3A_120, %sign3A_132 : i32
      %sign3A_134 = arith.extui %sign3A_133 : i1 to i32
      %sign3A_135 = arith.subi %sign3A_131, %sign3A_134 : i32
      %ne3A_136 = arith.cmpi ne, %sign3A_128, %sign3A_135 : i32
      %rem3A_137 = arith.remsi %mul3A_69, %jit3A_120 : i32
      %ne3A_138 = arith.constant 0 : i32
      %ne3A_139 = arith.cmpi ne, %rem3A_137, %ne3A_138 : i32
      %and3A_140 = arith.andi %ne3A_136, %ne3A_139 : i1
      %sub3A_141 = arith.constant 1 : i32
      %sub3A_142 = arith.subi %div3A_121, %sub3A_141 : i32
      %select_n3A_143 = arith.select %and3A_140, %sub3A_142, %div3A_121 : i32
      %jit3A_144 = arith.constant 5 : i32
      %eq3A_145 = arith.constant 0 : i32
      %eq3A_146 = arith.cmpi eq, %jit3A_144, %eq3A_145 : i32
      %jit3A_147 = arith.constant 1 : i32
      %select_n3A_148 = arith.select %eq3A_146, %jit3A_147, %jit3A_144 : i32
      %rem3A_149 = arith.remsi %mul3A_69, %select_n3A_148 : i32
      %ne3A_150 = arith.constant 0 : i32
      %ne3A_151 = arith.cmpi ne, %rem3A_149, %ne3A_150 : i32
      %lt3A_152 = arith.constant 0 : i32
      %lt3A_153 = arith.cmpi slt, %rem3A_149, %lt3A_152 : i32
      %lt3A_154 = arith.constant 0 : i32
      %lt3A_155 = arith.cmpi slt, %select_n3A_148, %lt3A_154 : i32
      %ne3A_156 = arith.xori %lt3A_153, %lt3A_155 : i1
      %and3A_157 = arith.andi %ne3A_156, %ne3A_151 : i1
      %add3A_158 = arith.addi %rem3A_149, %select_n3A_148 : i32
      %select_n3A_159 = arith.select %and3A_157, %add3A_158, %rem3A_149 : i32
      %mul3A_160 = arith.constant 25 : i32
      %mul3A_161 = arith.muli %select_n3A_159, %mul3A_160 : i32
      %scan3A_162 = arith.constant 0 : i32
      %scan3A_163 = arith.constant 0 : i32
      %scan3A_164 = arith.constant 8 : i32
      %scan3A_165 = arith.addi %scan3A_163, %scan3A_164 : i32
      %scan3A_166 = arith.constant 1 : i32
      %scan3A_167 = scf.for %scan3A_379 = %scan3A_163 to %scan3A_165 step %scan3A_166 iter_args(%scan3A_380 = %scan3A_162) -> (i32)  : i32 {
        %mul3A_381 = arith.constant 16 : i32
        %mul3A_382 = arith.muli %scan3A_379, %mul3A_381 : i32
        %add3A_383 = vector.broadcast %mul3A_382 : i32 to vector<16xi32>
        %add3A_384 = arith.addi %add3A_383, %iota3A : vector<16xi32>
        %mul3A_385 = arith.constant 32 : i32
        %mul3A_386 = vector.broadcast %mul3A_385 : i32 to vector<16xi32>
        %mul3A_387 = arith.muli %add3A_384, %mul3A_386 : vector<16xi32>
        %add3A_388 = vector.broadcast %select_n3A_143 : i32 to vector<16xi32>
        %add3A_389 = arith.addi %mul3A_387, %add3A_388 : vector<16xi32>
        %gather3A = tpu.vector_load_idx %arg4[%add3A_389] : memref<4096xi32, #tpu.memory_space<vmem>>[vector<16xi32>], vector<16xi32>,
        %shift_right_arithmetic3A = arith.constant 3 : i32
        %shift_right_arithmetic3A_390 = vector.broadcast %shift_right_arithmetic3A : i32 to vector<16xi32>
        %shift_right_arithmetic3A_391 = arith.shrsi %gather3A, %shift_right_arithmetic3A_390 : vector<16xi32>
        %ge3A = vector.broadcast %mul3A_161 : i32 to vector<16xi32>
        %ge3A_392 = arith.cmpi sge, %shift_right_arithmetic3A_391, %ge3A : vector<16xi32>
        %add3A_393 = arith.constant 25 : i32
        %add3A_394 = arith.addi %mul3A_161, %add3A_393 : i32
        %lt3A_395 = vector.broadcast %add3A_394 : i32 to vector<16xi32>
        %lt3A_396 = arith.cmpi slt, %shift_right_arithmetic3A_391, %lt3A_395 : vector<16xi32>
        %and3A_397 = arith.andi %ge3A_392, %lt3A_396 : vector<16xi1>
        %sub3A_398 = vector.broadcast %mul3A_161 : i32 to vector<16xi32>
        %sub3A_399 = arith.subi %shift_right_arithmetic3A_391, %sub3A_398 : vector<16xi32>
        %mul3A_400 = arith.constant 8 : i32
        %mul3A_401 = vector.broadcast %mul3A_400 : i32 to vector<16xi32>
        %mul3A_402 = arith.muli %sub3A_399, %mul3A_401 : vector<16xi32>
        %and3A_403 = arith.constant 7 : i32
        %and3A_404 = vector.broadcast %and3A_403 : i32 to vector<16xi32>
        %and3A_405 = arith.andi %gather3A, %and3A_404 : vector<16xi32>
        %add3A_406 = arith.addi %mul3A_402, %and3A_405 : vector<16xi32>
        tpu.vector_store_idx %arg5[%add3A_406, %add3A_384], %broadcast_in_dim3A_7 masked %and3A_397 : memref<200x128xi32, #tpu.memory_space<vmem>>[vector<16xi32>, vector<16xi32>], vector<16xi32>, vector<16xi1>
        %scan3A_407 = arith.constant 0 : i32
        scf.yield %scan3A_407 : i32
      }
      %scan3A_168 = arith.constant 8 : i32
      %jit3A_169 = arith.constant 5 : i32
      %div3A_170 = arith.divsi %mul3A_69, %jit3A_169 : i32
      %sign3A_171 = arith.constant 0 : i32
      %sign3A_172 = arith.cmpi sgt, %mul3A_69, %sign3A_171 : i32
      %sign3A_173 = arith.extui %sign3A_172 : i1 to i32
      %sign3A_174 = arith.constant 0 : i32
      %sign3A_175 = arith.cmpi slt, %mul3A_69, %sign3A_174 : i32
      %sign3A_176 = arith.extui %sign3A_175 : i1 to i32
      %sign3A_177 = arith.subi %sign3A_173, %sign3A_176 : i32
      %sign3A_178 = arith.constant 0 : i32
      %sign3A_179 = arith.cmpi sgt, %jit3A_169, %sign3A_178 : i32
      %sign3A_180 = arith.extui %sign3A_179 : i1 to i32
      %sign3A_181 = arith.constant 0 : i32
      %sign3A_182 = arith.cmpi slt, %jit3A_169, %sign3A_181 : i32
      %sign3A_183 = arith.extui %sign3A_182 : i1 to i32
      %sign3A_184 = arith.subi %sign3A_180, %sign3A_183 : i32
      %ne3A_185 = arith.cmpi ne, %sign3A_177, %sign3A_184 : i32
      %rem3A_186 = arith.remsi %mul3A_69, %jit3A_169 : i32
      %ne3A_187 = arith.constant 0 : i32
      %ne3A_188 = arith.cmpi ne, %rem3A_186, %ne3A_187 : i32
      %and3A_189 = arith.andi %ne3A_185, %ne3A_188 : i1
      %sub3A_190 = arith.constant 1 : i32
      %sub3A_191 = arith.subi %div3A_170, %sub3A_190 : i32
      %select_n3A_192 = arith.select %and3A_189, %sub3A_191, %div3A_170 : i32
      %jit3A_193 = arith.constant 5 : i32
      %eq3A_194 = arith.constant 0 : i32
      %eq3A_195 = arith.cmpi eq, %jit3A_193, %eq3A_194 : i32
      %jit3A_196 = arith.constant 1 : i32
      %select_n3A_197 = arith.select %eq3A_195, %jit3A_196, %jit3A_193 : i32
      %rem3A_198 = arith.remsi %mul3A_69, %select_n3A_197 : i32
      %ne3A_199 = arith.constant 0 : i32
      %ne3A_200 = arith.cmpi ne, %rem3A_198, %ne3A_199 : i32
      %lt3A_201 = arith.constant 0 : i32
      %lt3A_202 = arith.cmpi slt, %rem3A_198, %lt3A_201 : i32
      %lt3A_203 = arith.constant 0 : i32
      %lt3A_204 = arith.cmpi slt, %select_n3A_197, %lt3A_203 : i32
      %ne3A_205 = arith.xori %lt3A_202, %lt3A_204 : i1
      %and3A_206 = arith.andi %ne3A_205, %ne3A_200 : i1
      %add3A_207 = arith.addi %rem3A_198, %select_n3A_197 : i32
      %select_n3A_208 = arith.select %and3A_206, %add3A_207, %rem3A_198 : i32
      %mul3A_209 = arith.constant 25 : i32
      %mul3A_210 = arith.muli %select_n3A_208, %mul3A_209 : i32
      %scan3A_211 = arith.constant 0 : i32
      %scan3A_212 = arith.constant 0 : i32
      %scan3A_213 = arith.constant 25 : i32
      %scan3A_214 = arith.addi %scan3A_212, %scan3A_213 : i32
      %scan3A_215 = arith.constant 1 : i32
      %scan3A_216 = scf.for %scan3A_379 = %scan3A_212 to %scan3A_214 step %scan3A_215 iter_args(%scan3A_380 = %scan3A_211) -> (i32)  : i32 {
        %add3A_381 = arith.addi %mul3A_210, %scan3A_379 : i32
        %mul3A_382 = arith.constant 8 : i32
        %mul3A_383 = arith.muli %add3A_381, %mul3A_382 : i32
        %multiple_of3A = tpu.assume_multiple %mul3A_383, 8 : i32
        %multiple_of3A_384 = tpu.assume_multiple %mul3A_2, 128 : i32
        %mul3A_385 = arith.constant 8 : i32
        %mul3A_386 = arith.muli %scan3A_379, %mul3A_385 : i32
        %multiple_of3A_387 = tpu.assume_multiple %mul3A_386, 8 : i32
        %dma_start3A = arith.constant 0 : i32
        %dma_start3A_388 = tpu.memref_slice %arg5[%multiple_of3A_387, %dma_start3A] : memref<200x128xi32, #tpu.memory_space<vmem>> -> memref<8x128xi32, #tpu.memory_space<vmem>>
        %dma_start3A_389 = tpu.memref_slice %arg3[%select_n3A_192, %multiple_of3A, %multiple_of3A_384] : memref<26x1000x4096xi32, #tpu.memory_space<hbm>> -> memref<1x8x128xi32, #tpu.memory_space<hbm>>
        %dma_start3A_390 = tpu.memref_squeeze %dma_start3A_389 : memref<1x8x128xi32, #tpu.memory_space<hbm>> -> memref<8x128xi32, #tpu.memory_space<hbm>>
        %dma_start3A_391 = tpu.memref_slice %arg3[%select_n3A_192, %multiple_of3A, %multiple_of3A_384] : memref<26x1000x4096xi32, #tpu.memory_space<hbm>> -> memref<1x8x128xi32, #tpu.memory_space<hbm>>
        %dma_start3A_392 = tpu.memref_squeeze %dma_start3A_391 : memref<1x8x128xi32, #tpu.memory_space<hbm>> -> memref<8x128xi32, #tpu.memory_space<hbm>>
        %dma_start3A_393 = arith.constant 0 : i32
        %dma_start3A_394 = tpu.memref_slice %arg5[%multiple_of3A_387, %dma_start3A_393] : memref<200x128xi32, #tpu.memory_space<vmem>> -> memref<8x128xi32, #tpu.memory_space<vmem>>
        tpu.enqueue_dma source(%dma_start3A_394 : memref<8x128xi32, #tpu.memory_space<vmem>>) target(%dma_start3A_392 : memref<8x128xi32, #tpu.memory_space<hbm>>) target_semaphore(%arg7 : memref<!tpu.dma_semaphore, #tpu.memory_space<semaphore_mem>>)
        %scan3A_395 = arith.constant 0 : i32
        scf.yield %scan3A_395 : i32
      }
      %scan3A_217 = arith.constant 25 : i32
      %dma_wait3A_218 = arith.constant 0 : i32
      %dma_wait3A_219 = arith.constant 0 : i32
      %dma_wait3A_220 = arith.constant 0 : i32
      %dma_wait3A_221 = tpu.memref_slice %arg3[%dma_wait3A_218, %dma_wait3A_219, %dma_wait3A_220] : memref<26x1000x4096xi32, #tpu.memory_space<hbm>> -> memref<1x200x128xi32, #tpu.memory_space<hbm>>
      %dma_wait3A_222 = tpu.memref_squeeze %dma_wait3A_221 : memref<1x200x128xi32, #tpu.memory_space<hbm>> -> memref<200x128xi32, #tpu.memory_space<hbm>>
      %dma_wait3A_223 = arith.constant 0 : i32
      %dma_wait3A_224 = arith.constant 0 : i32
      %dma_wait3A_225 = tpu.memref_slice %arg3[%dma_wait3A_218, %dma_wait3A_223, %dma_wait3A_224] : memref<26x1000x4096xi32, #tpu.memory_space<hbm>> -> memref<1x200x128xi32, #tpu.memory_space<hbm>>
      %dma_wait3A_226 = tpu.memref_squeeze %dma_wait3A_225 : memref<1x200x128xi32, #tpu.memory_space<hbm>> -> memref<200x128xi32, #tpu.memory_space<hbm>>
      tpu.wait_dma2 semaphore(%arg8 : memref<!tpu.dma_semaphore, #tpu.memory_space<semaphore_mem>>) src(%dma_wait3A_226 : memref<200x128xi32, #tpu.memory_space<hbm>>) dst(%arg6 : memref<200x128xi32, #tpu.memory_space<vmem>>)
      %sub3A_227 = arith.constant 1 : i32
      %sub3A_228 = arith.subi %mul3A_69, %sub3A_227 : i32
      %jit3A_229 = arith.constant 5 : i32
      %div3A_230 = arith.divsi %sub3A_228, %jit3A_229 : i32
      %sign3A_231 = arith.constant 0 : i32
      %sign3A_232 = arith.cmpi sgt, %sub3A_228, %sign3A_231 : i32
      %sign3A_233 = arith.extui %sign3A_232 : i1 to i32
      %sign3A_234 = arith.constant 0 : i32
      %sign3A_235 = arith.cmpi slt, %sub3A_228, %sign3A_234 : i32
      %sign3A_236 = arith.extui %sign3A_235 : i1 to i32
      %sign3A_237 = arith.subi %sign3A_233, %sign3A_236 : i32
      %sign3A_238 = arith.constant 0 : i32
      %sign3A_239 = arith.cmpi sgt, %jit3A_229, %sign3A_238 : i32
      %sign3A_240 = arith.extui %sign3A_239 : i1 to i32
      %sign3A_241 = arith.constant 0 : i32
      %sign3A_242 = arith.cmpi slt, %jit3A_229, %sign3A_241 : i32
      %sign3A_243 = arith.extui %sign3A_242 : i1 to i32
      %sign3A_244 = arith.subi %sign3A_240, %sign3A_243 : i32
      %ne3A_245 = arith.cmpi ne, %sign3A_237, %sign3A_244 : i32
      %rem3A_246 = arith.remsi %sub3A_228, %jit3A_229 : i32
      %ne3A_247 = arith.constant 0 : i32
      %ne3A_248 = arith.cmpi ne, %rem3A_246, %ne3A_247 : i32
      %and3A_249 = arith.andi %ne3A_245, %ne3A_248 : i1
      %sub3A_250 = arith.constant 1 : i32
      %sub3A_251 = arith.subi %div3A_230, %sub3A_250 : i32
      %select_n3A_252 = arith.select %and3A_249, %sub3A_251, %div3A_230 : i32
      %jit3A_253 = arith.constant 5 : i32
      %eq3A_254 = arith.constant 0 : i32
      %eq3A_255 = arith.cmpi eq, %jit3A_253, %eq3A_254 : i32
      %jit3A_256 = arith.constant 1 : i32
      %select_n3A_257 = arith.select %eq3A_255, %jit3A_256, %jit3A_253 : i32
      %rem3A_258 = arith.remsi %sub3A_228, %select_n3A_257 : i32
      %ne3A_259 = arith.constant 0 : i32
      %ne3A_260 = arith.cmpi ne, %rem3A_258, %ne3A_259 : i32
      %lt3A_261 = arith.constant 0 : i32
      %lt3A_262 = arith.cmpi slt, %rem3A_258, %lt3A_261 : i32
      %lt3A_263 = arith.constant 0 : i32
      %lt3A_264 = arith.cmpi slt, %select_n3A_257, %lt3A_263 : i32
      %ne3A_265 = arith.xori %lt3A_262, %lt3A_264 : i1
      %and3A_266 = arith.andi %ne3A_265, %ne3A_260 : i1
      %add3A_267 = arith.addi %rem3A_258, %select_n3A_257 : i32
      %select_n3A_268 = arith.select %and3A_266, %add3A_267, %rem3A_258 : i32
      %mul3A_269 = arith.constant 25 : i32
      %mul3A_270 = arith.muli %select_n3A_268, %mul3A_269 : i32
      %scan3A_271 = arith.constant 0 : i32
      %scan3A_272 = arith.constant 0 : i32
      %scan3A_273 = arith.constant 8 : i32
      %scan3A_274 = arith.addi %scan3A_272, %scan3A_273 : i32
      %scan3A_275 = arith.constant 1 : i32
      %scan3A_276 = scf.for %scan3A_379 = %scan3A_272 to %scan3A_274 step %scan3A_275 iter_args(%scan3A_380 = %scan3A_271) -> (i32)  : i32 {
        %mul3A_381 = arith.constant 16 : i32
        %mul3A_382 = arith.muli %scan3A_379, %mul3A_381 : i32
        %add3A_383 = vector.broadcast %mul3A_382 : i32 to vector<16xi32>
        %add3A_384 = arith.addi %add3A_383, %iota3A : vector<16xi32>
        %mul3A_385 = arith.constant 32 : i32
        %mul3A_386 = vector.broadcast %mul3A_385 : i32 to vector<16xi32>
        %mul3A_387 = arith.muli %add3A_384, %mul3A_386 : vector<16xi32>
        %add3A_388 = vector.broadcast %select_n3A_252 : i32 to vector<16xi32>
        %add3A_389 = arith.addi %mul3A_387, %add3A_388 : vector<16xi32>
        %gather3A = tpu.vector_load_idx %arg4[%add3A_389] : memref<4096xi32, #tpu.memory_space<vmem>>[vector<16xi32>], vector<16xi32>,
        %shift_right_arithmetic3A = arith.constant 3 : i32
        %shift_right_arithmetic3A_390 = vector.broadcast %shift_right_arithmetic3A : i32 to vector<16xi32>
        %shift_right_arithmetic3A_391 = arith.shrsi %gather3A, %shift_right_arithmetic3A_390 : vector<16xi32>
        %ge3A = vector.broadcast %mul3A_270 : i32 to vector<16xi32>
        %ge3A_392 = arith.cmpi sge, %shift_right_arithmetic3A_391, %ge3A : vector<16xi32>
        %add3A_393 = arith.constant 25 : i32
        %add3A_394 = arith.addi %mul3A_270, %add3A_393 : i32
        %lt3A_395 = vector.broadcast %add3A_394 : i32 to vector<16xi32>
        %lt3A_396 = arith.cmpi slt, %shift_right_arithmetic3A_391, %lt3A_395 : vector<16xi32>
        %and3A_397 = arith.andi %ge3A_392, %lt3A_396 : vector<16xi1>
        %sub3A_398 = vector.broadcast %mul3A_270 : i32 to vector<16xi32>
        %sub3A_399 = arith.subi %shift_right_arithmetic3A_391, %sub3A_398 : vector<16xi32>
        %mul3A_400 = arith.constant 8 : i32
        %mul3A_401 = vector.broadcast %mul3A_400 : i32 to vector<16xi32>
        %mul3A_402 = arith.muli %sub3A_399, %mul3A_401 : vector<16xi32>
        %and3A_403 = arith.constant 7 : i32
        %and3A_404 = vector.broadcast %and3A_403 : i32 to vector<16xi32>
        %and3A_405 = arith.andi %gather3A, %and3A_404 : vector<16xi32>
        %add3A_406 = arith.addi %mul3A_402, %and3A_405 : vector<16xi32>
        tpu.vector_store_idx %arg6[%add3A_406, %add3A_384], %broadcast_in_dim3A_5 masked %and3A_397 : memref<200x128xi32, #tpu.memory_space<vmem>>[vector<16xi32>, vector<16xi32>], vector<16xi32>, vector<16xi1>
        %scan3A_407 = arith.constant 0 : i32
        scf.yield %scan3A_407 : i32
      }
      %scan3A_277 = arith.constant 8 : i32
      %add3A_278 = arith.constant 1 : i32
      %add3A_279 = arith.addi %mul3A_69, %add3A_278 : i32
      %jit3A_280 = arith.constant 5 : i32
      %div3A_281 = arith.divsi %add3A_279, %jit3A_280 : i32
      %sign3A_282 = arith.constant 0 : i32
      %sign3A_283 = arith.cmpi sgt, %add3A_279, %sign3A_282 : i32
      %sign3A_284 = arith.extui %sign3A_283 : i1 to i32
      %sign3A_285 = arith.constant 0 : i32
      %sign3A_286 = arith.cmpi slt, %add3A_279, %sign3A_285 : i32
      %sign3A_287 = arith.extui %sign3A_286 : i1 to i32
      %sign3A_288 = arith.subi %sign3A_284, %sign3A_287 : i32
      %sign3A_289 = arith.constant 0 : i32
      %sign3A_290 = arith.cmpi sgt, %jit3A_280, %sign3A_289 : i32
      %sign3A_291 = arith.extui %sign3A_290 : i1 to i32
      %sign3A_292 = arith.constant 0 : i32
      %sign3A_293 = arith.cmpi slt, %jit3A_280, %sign3A_292 : i32
      %sign3A_294 = arith.extui %sign3A_293 : i1 to i32
      %sign3A_295 = arith.subi %sign3A_291, %sign3A_294 : i32
      %ne3A_296 = arith.cmpi ne, %sign3A_288, %sign3A_295 : i32
      %rem3A_297 = arith.remsi %add3A_279, %jit3A_280 : i32
      %ne3A_298 = arith.constant 0 : i32
      %ne3A_299 = arith.cmpi ne, %rem3A_297, %ne3A_298 : i32
      %and3A_300 = arith.andi %ne3A_296, %ne3A_299 : i1
      %sub3A_301 = arith.constant 1 : i32
      %sub3A_302 = arith.subi %div3A_281, %sub3A_301 : i32
      %select_n3A_303 = arith.select %and3A_300, %sub3A_302, %div3A_281 : i32
      %jit3A_304 = arith.constant 5 : i32
      %eq3A_305 = arith.constant 0 : i32
      %eq3A_306 = arith.cmpi eq, %jit3A_304, %eq3A_305 : i32
      %jit3A_307 = arith.constant 1 : i32
      %select_n3A_308 = arith.select %eq3A_306, %jit3A_307, %jit3A_304 : i32
      %rem3A_309 = arith.remsi %add3A_279, %select_n3A_308 : i32
      %ne3A_310 = arith.constant 0 : i32
      %ne3A_311 = arith.cmpi ne, %rem3A_309, %ne3A_310 : i32
      %lt3A_312 = arith.constant 0 : i32
      %lt3A_313 = arith.cmpi slt, %rem3A_309, %lt3A_312 : i32
      %lt3A_314 = arith.constant 0 : i32
      %lt3A_315 = arith.cmpi slt, %select_n3A_308, %lt3A_314 : i32
      %ne3A_316 = arith.xori %lt3A_313, %lt3A_315 : i1
      %and3A_317 = arith.andi %ne3A_316, %ne3A_311 : i1
      %add3A_318 = arith.addi %rem3A_309, %select_n3A_308 : i32
      %select_n3A_319 = arith.select %and3A_317, %add3A_318, %rem3A_309 : i32
      %mul3A_320 = arith.constant 25 : i32
      %mul3A_321 = arith.muli %select_n3A_319, %mul3A_320 : i32
      %scan3A_322 = arith.constant 0 : i32
      %scan3A_323 = arith.constant 0 : i32
      %scan3A_324 = arith.constant 8 : i32
      %scan3A_325 = arith.addi %scan3A_323, %scan3A_324 : i32
      %scan3A_326 = arith.constant 1 : i32
      %scan3A_327 = scf.for %scan3A_379 = %scan3A_323 to %scan3A_325 step %scan3A_326 iter_args(%scan3A_380 = %scan3A_322) -> (i32)  : i32 {
        %mul3A_381 = arith.constant 16 : i32
        %mul3A_382 = arith.muli %scan3A_379, %mul3A_381 : i32
        %add3A_383 = vector.broadcast %mul3A_382 : i32 to vector<16xi32>
        %add3A_384 = arith.addi %add3A_383, %iota3A : vector<16xi32>
        %mul3A_385 = arith.constant 32 : i32
        %mul3A_386 = vector.broadcast %mul3A_385 : i32 to vector<16xi32>
        %mul3A_387 = arith.muli %add3A_384, %mul3A_386 : vector<16xi32>
        %add3A_388 = vector.broadcast %select_n3A_303 : i32 to vector<16xi32>
        %add3A_389 = arith.addi %mul3A_387, %add3A_388 : vector<16xi32>
        %gather3A = tpu.vector_load_idx %arg4[%add3A_389] : memref<4096xi32, #tpu.memory_space<vmem>>[vector<16xi32>], vector<16xi32>,
        %shift_right_arithmetic3A = arith.constant 3 : i32
        %shift_right_arithmetic3A_390 = vector.broadcast %shift_right_arithmetic3A : i32 to vector<16xi32>
        %shift_right_arithmetic3A_391 = arith.shrsi %gather3A, %shift_right_arithmetic3A_390 : vector<16xi32>
        %ge3A = vector.broadcast %mul3A_321 : i32 to vector<16xi32>
        %ge3A_392 = arith.cmpi sge, %shift_right_arithmetic3A_391, %ge3A : vector<16xi32>
        %add3A_393 = arith.constant 25 : i32
        %add3A_394 = arith.addi %mul3A_321, %add3A_393 : i32
        %lt3A_395 = vector.broadcast %add3A_394 : i32 to vector<16xi32>
        %lt3A_396 = arith.cmpi slt, %shift_right_arithmetic3A_391, %lt3A_395 : vector<16xi32>
        %and3A_397 = arith.andi %ge3A_392, %lt3A_396 : vector<16xi1>
        %sub3A_398 = vector.broadcast %mul3A_321 : i32 to vector<16xi32>
        %sub3A_399 = arith.subi %shift_right_arithmetic3A_391, %sub3A_398 : vector<16xi32>
        %mul3A_400 = arith.constant 8 : i32
        %mul3A_401 = vector.broadcast %mul3A_400 : i32 to vector<16xi32>
        %mul3A_402 = arith.muli %sub3A_399, %mul3A_401 : vector<16xi32>
        %and3A_403 = arith.constant 7 : i32
        %and3A_404 = vector.broadcast %and3A_403 : i32 to vector<16xi32>
        %and3A_405 = arith.andi %gather3A, %and3A_404 : vector<16xi32>
        %add3A_406 = arith.addi %mul3A_402, %and3A_405 : vector<16xi32>
        tpu.vector_store_idx %arg6[%add3A_406, %add3A_384], %broadcast_in_dim3A_7 masked %and3A_397 : memref<200x128xi32, #tpu.memory_space<vmem>>[vector<16xi32>, vector<16xi32>], vector<16xi32>, vector<16xi1>
        %scan3A_407 = arith.constant 0 : i32
        scf.yield %scan3A_407 : i32
      }
      %scan3A_328 = arith.constant 8 : i32
      %jit3A_329 = arith.constant 5 : i32
      %div3A_330 = arith.divsi %add3A_279, %jit3A_329 : i32
      %sign3A_331 = arith.constant 0 : i32
      %sign3A_332 = arith.cmpi sgt, %add3A_279, %sign3A_331 : i32
      %sign3A_333 = arith.extui %sign3A_332 : i1 to i32
      %sign3A_334 = arith.constant 0 : i32
      %sign3A_335 = arith.cmpi slt, %add3A_279, %sign3A_334 : i32
      %sign3A_336 = arith.extui %sign3A_335 : i1 to i32
      %sign3A_337 = arith.subi %sign3A_333, %sign3A_336 : i32
      %sign3A_338 = arith.constant 0 : i32
      %sign3A_339 = arith.cmpi sgt, %jit3A_329, %sign3A_338 : i32
      %sign3A_340 = arith.extui %sign3A_339 : i1 to i32
      %sign3A_341 = arith.constant 0 : i32
      %sign3A_342 = arith.cmpi slt, %jit3A_329, %sign3A_341 : i32
      %sign3A_343 = arith.extui %sign3A_342 : i1 to i32
      %sign3A_344 = arith.subi %sign3A_340, %sign3A_343 : i32
      %ne3A_345 = arith.cmpi ne, %sign3A_337, %sign3A_344 : i32
      %rem3A_346 = arith.remsi %add3A_279, %jit3A_329 : i32
      %ne3A_347 = arith.constant 0 : i32
      %ne3A_348 = arith.cmpi ne, %rem3A_346, %ne3A_347 : i32
      %and3A_349 = arith.andi %ne3A_345, %ne3A_348 : i1
      %sub3A_350 = arith.constant 1 : i32
      %sub3A_351 = arith.subi %div3A_330, %sub3A_350 : i32
      %select_n3A_352 = arith.select %and3A_349, %sub3A_351, %div3A_330 : i32
      %jit3A_353 = arith.constant 5 : i32
      %eq3A_354 = arith.constant 0 : i32
      %eq3A_355 = arith.cmpi eq, %jit3A_353, %eq3A_354 : i32
      %jit3A_356 = arith.constant 1 : i32
      %select_n3A_357 = arith.select %eq3A_355, %jit3A_356, %jit3A_353 : i32
      %rem3A_358 = arith.remsi %add3A_279, %select_n3A_357 : i32
      %ne3A_359 = arith.constant 0 : i32
      %ne3A_360 = arith.cmpi ne, %rem3A_358, %ne3A_359 : i32
      %lt3A_361 = arith.constant 0 : i32
      %lt3A_362 = arith.cmpi slt, %rem3A_358, %lt3A_361 : i32
      %lt3A_363 = arith.constant 0 : i32
      %lt3A_364 = arith.cmpi slt, %select_n3A_357, %lt3A_363 : i32
      %ne3A_365 = arith.xori %lt3A_362, %lt3A_364 : i1
      %and3A_366 = arith.andi %ne3A_365, %ne3A_360 : i1
      %add3A_367 = arith.addi %rem3A_358, %select_n3A_357 : i32
      %select_n3A_368 = arith.select %and3A_366, %add3A_367, %rem3A_358 : i32
      %mul3A_369 = arith.constant 25 : i32
      %mul3A_370 = arith.muli %select_n3A_368, %mul3A_369 : i32
      %scan3A_371 = arith.constant 0 : i32
      %scan3A_372 = arith.constant 0 : i32
      %scan3A_373 = arith.constant 25 : i32
      %scan3A_374 = arith.addi %scan3A_372, %scan3A_373 : i32
      %scan3A_375 = arith.constant 1 : i32
      %scan3A_376 = scf.for %scan3A_379 = %scan3A_372 to %scan3A_374 step %scan3A_375 iter_args(%scan3A_380 = %scan3A_371) -> (i32)  : i32 {
        %add3A_381 = arith.addi %mul3A_370, %scan3A_379 : i32
        %mul3A_382 = arith.constant 8 : i32
        %mul3A_383 = arith.muli %add3A_381, %mul3A_382 : i32
        %multiple_of3A = tpu.assume_multiple %mul3A_383, 8 : i32
        %multiple_of3A_384 = tpu.assume_multiple %mul3A_2, 128 : i32
        %mul3A_385 = arith.constant 8 : i32
        %mul3A_386 = arith.muli %scan3A_379, %mul3A_385 : i32
        %multiple_of3A_387 = tpu.assume_multiple %mul3A_386, 8 : i32
        %dma_start3A = arith.constant 0 : i32
        %dma_start3A_388 = tpu.memref_slice %arg6[%multiple_of3A_387, %dma_start3A] : memref<200x128xi32, #tpu.memory_space<vmem>> -> memref<8x128xi32, #tpu.memory_space<vmem>>
        %dma_start3A_389 = tpu.memref_slice %arg3[%select_n3A_352, %multiple_of3A, %multiple_of3A_384] : memref<26x1000x4096xi32, #tpu.memory_space<hbm>> -> memref<1x8x128xi32, #tpu.memory_space<hbm>>
        %dma_start3A_390 = tpu.memref_squeeze %dma_start3A_389 : memref<1x8x128xi32, #tpu.memory_space<hbm>> -> memref<8x128xi32, #tpu.memory_space<hbm>>
        %dma_start3A_391 = tpu.memref_slice %arg3[%select_n3A_352, %multiple_of3A, %multiple_of3A_384] : memref<26x1000x4096xi32, #tpu.memory_space<hbm>> -> memref<1x8x128xi32, #tpu.memory_space<hbm>>
        %dma_start3A_392 = tpu.memref_squeeze %dma_start3A_391 : memref<1x8x128xi32, #tpu.memory_space<hbm>> -> memref<8x128xi32, #tpu.memory_space<hbm>>
        %dma_start3A_393 = arith.constant 0 : i32
        %dma_start3A_394 = tpu.memref_slice %arg6[%multiple_of3A_387, %dma_start3A_393] : memref<200x128xi32, #tpu.memory_space<vmem>> -> memref<8x128xi32, #tpu.memory_space<vmem>>
        tpu.enqueue_dma source(%dma_start3A_394 : memref<8x128xi32, #tpu.memory_space<vmem>>) target(%dma_start3A_392 : memref<8x128xi32, #tpu.memory_space<hbm>>) target_semaphore(%arg8 : memref<!tpu.dma_semaphore, #tpu.memory_space<semaphore_mem>>)
        %scan3A_395 = arith.constant 0 : i32
        scf.yield %scan3A_395 : i32
      }
      %scan3A_377 = arith.constant 25 : i32
      %scan3A_378 = arith.constant 0 : i32
      scf.yield %scan3A_378 : i32
    }
    %scan3A_48 = arith.constant 64 : i32
    %dma_wait3A = arith.constant 0 : i32
    %dma_wait3A_49 = arith.constant 0 : i32
    %dma_wait3A_50 = arith.constant 0 : i32
    %dma_wait3A_51 = tpu.memref_slice %arg3[%dma_wait3A, %dma_wait3A_49, %dma_wait3A_50] : memref<26x1000x4096xi32, #tpu.memory_space<hbm>> -> memref<1x200x128xi32, #tpu.memory_space<hbm>>
    %dma_wait3A_52 = tpu.memref_squeeze %dma_wait3A_51 : memref<1x200x128xi32, #tpu.memory_space<hbm>> -> memref<200x128xi32, #tpu.memory_space<hbm>>
    %dma_wait3A_53 = arith.constant 0 : i32
    %dma_wait3A_54 = arith.constant 0 : i32
    %dma_wait3A_55 = tpu.memref_slice %arg3[%dma_wait3A, %dma_wait3A_53, %dma_wait3A_54] : memref<26x1000x4096xi32, #tpu.memory_space<hbm>> -> memref<1x200x128xi32, #tpu.memory_space<hbm>>
    %dma_wait3A_56 = tpu.memref_squeeze %dma_wait3A_55 : memref<1x200x128xi32, #tpu.memory_space<hbm>> -> memref<200x128xi32, #tpu.memory_space<hbm>>
    tpu.wait_dma2 semaphore(%arg7 : memref<!tpu.dma_semaphore, #tpu.memory_space<semaphore_mem>>) src(%dma_wait3A_56 : memref<200x128xi32, #tpu.memory_space<hbm>>) dst(%arg5 : memref<200x128xi32, #tpu.memory_space<vmem>>)
    %dma_wait3A_57 = arith.constant 0 : i32
    %dma_wait3A_58 = arith.constant 0 : i32
    %dma_wait3A_59 = arith.constant 0 : i32
    %dma_wait3A_60 = tpu.memref_slice %arg3[%dma_wait3A_57, %dma_wait3A_58, %dma_wait3A_59] : memref<26x1000x4096xi32, #tpu.memory_space<hbm>> -> memref<1x200x128xi32, #tpu.memory_space<hbm>>
    %dma_wait3A_61 = tpu.memref_squeeze %dma_wait3A_60 : memref<1x200x128xi32, #tpu.memory_space<hbm>> -> memref<200x128xi32, #tpu.memory_space<hbm>>
    %dma_wait3A_62 = arith.constant 0 : i32
    %dma_wait3A_63 = arith.constant 0 : i32
    %dma_wait3A_64 = tpu.memref_slice %arg3[%dma_wait3A_57, %dma_wait3A_62, %dma_wait3A_63] : memref<26x1000x4096xi32, #tpu.memory_space<hbm>> -> memref<1x200x128xi32, #tpu.memory_space<hbm>>
    %dma_wait3A_65 = tpu.memref_squeeze %dma_wait3A_64 : memref<1x200x128xi32, #tpu.memory_space<hbm>> -> memref<200x128xi32, #tpu.memory_space<hbm>>
    tpu.wait_dma2 semaphore(%arg8 : memref<!tpu.dma_semaphore, #tpu.memory_space<semaphore_mem>>) src(%dma_wait3A_65 : memref<200x128xi32, #tpu.memory_space<hbm>>) dst(%arg6 : memref<200x128xi32, #tpu.memory_space<vmem>>)
    return
  }
}

</mosaic_0001>

<sc_bundles>
// kernel: kernel.3.cloned.1.call-start
scs
__scs_entry_jumppad:
0x0: {  	(pc) =	sbr.rel $0x88, $3  }
0x1: {  	(tag) =	ssettag $0x0;
	lr =	simm.s32 $0x1  }
0x2: {  	[smem:$0x3FA0] =	sst lr;
	_ =	strace $0xD0000000  }
0x3: {  	_ = 	snop  }
0x4: {  	_ = 	snop  }
0x5: {  	_ = 	snop  }
0x6: {  	_ = 	snop  }
0x7: {  	_ = 	snop  }
__scs_overlays_trampoline_lowered:
0x8: {  	[smem:$0x3FAF] =	sst s0  }
0x9: {  	[smem:$0x3FB0] =	sst s1  }
0xa: {  	[smem:$0x3FB1] =	sst s2  }
0xb: {  	[smem:$0x3FB2] =	sst s3  }
0xc: {  	[smem:$0x3FB3] =	sst s4  }
0xd: {  	[smem:$0x3FB4] =	sst s5  }
0xe: {  	[smem:$0x3FB5] =	sst s6  }
0xf: {  	[smem:$0x3FB6] =	sst s7  }
0x10: {  	[smem:$0x3FB7] =	sst s8  }
0x11: {  	[smem:$0x3FB8] =	sst s9;
	s0 =	simm.s32 @!p0 $0x0  }
0x12: {  	s1 =	sld [smem:$0x3F9E];
	s0 =	simm.s32 @p0 $0x1  }
0x13: {  	[smem:$0x3FB9] =	sst s0;
	s0 =	simm.s32 @!p1 $0x0  }
0x14: {  	s2 =	sld [smem:$0x3F9D];
	s0 =	simm.s32 @p1 $0x1  }
0x15: {  	[smem:$0x3FBA] =	sst s0;
	s0 =	simm.s32 @!p2 $0x0  }
0x16: {  	s3 =	sld [smem:$0x3FDB];
	s0 =	simm.s32 @p2 $0x1  }
0x17: {  	s4 =	simm.s32 $0x1BF5;
	[smem:$0x3FBC] =	sst s0  }
0x18: {  	s0 =	sld [smem:$0x3F9F];
	_ =	swait.ge [sflag:s4], $0x0  }
0x19: {  	s7 =	sld [smem:$0x3FA0]  }
0x1a: {  	s8 =	sadd.s32 $0xFFFFE003, lr  }
0x1b: {  	s9 =	sadd.s32 $0xFFFFFEF7, lr;
	s5 =	simm.s32 $0xFFFFFFFF;
	p2 =	slt.u32 s8, $0xFFFFF086  }
0x1c: {  	p1 =	slt.u32 s9, $0xF7A;
	s5 =	simm.s32 @!p2 $0x0  }
0x1d: {  	s5 =	simm.s32 @p1 $0x1;
	p0 =	seq.s32 s7, s2  }
0x1e: {  	s7 =	smul.u32 @!p0 $0xF7A, s2;
	p2 =	seq.s32 @!p0 s5, $0x0  }
0x1f: {  	s9 =	smul.u32 $0xF7A, s1;
	s8 =	simm.s32 @!p0 $0x1BF5;
	p2 =	por !p2, p0  }
0x20: {  	[sflag:s8] =	ssyncset.s32 @!p0 $0xFFFFF086;
	s6 =	sadd.s32 @!p0 s3, s7;
	s7 =	simm.s32 @!p0 $0x108  }
0x21: {  	s3 =	sadd.s32 s3, s9;
	s6 =	sadd.s32 @!p0 $0x88, s6;
	s7 =	simm.s32 @p2 $0x1082  }
0x22: {  	[simem:s7], [sflag:s8] =	dma.local @!p0 [hbm:s6], $0xF7A  }
0x23: {  	s9 =	sor.u32 $0xD0000000, s2;
	s6 =	simm.s32 $0x108;
	_ =	swait.ge @!p0 [sflag:s8], $0x0  }
0x24: {  	s3 =	sadd.s32 $0x88, s3;
	s6 =	simm.s32 @!p1 $0x1082;
	[sflag:s4] =	ssyncset.s32 $0xFFFFF086  }
0x25: {  	[simem:s6], [sflag:s4] =	dma.local [hbm:s3], $0xF7A  }
0x26: {  	[smem:$0x3FA0] =	sst s1;
	(tag) =	ssettag s2;
	_ =	strace s9  }
0x27: {  	s1 =	sld [smem:$0x3FB0]  }
0x28: {  	s2 =	sld [smem:$0x3FB1]  }
0x29: {  	s4 =	sld [smem:$0x3FB3]  }
0x2a: {  	p0 =	seq.s32 s5, $0x0;
	s5 =	sld [smem:$0x3FB4]  }
0x2b: {  	s6 =	sld [smem:$0x3FB5]  }
0x2c: {  	s7 =	sld [smem:$0x3FB6]  }
0x2d: {  	s3 =	simm.s32 $0x108;
	s8 =	sld [smem:$0x3FB7]  }
0x2e: {  	s3 =	simm.s32 @!p0 $0x1082;
	s9 =	sld [smem:$0x3FB8]  }
0x2f: {  	lr =	sadd.s32 s0, s3;
	s0 =	sld [smem:$0x3FAF]  }
0x30: {  	s3 =	sld [smem:$0x3FB2]  }
0x31: {  	[smem:$0x3FBB] =	sst s10  }
0x32: {  	s10 =	sld [smem:$0x3FB9];
	_ =	sdelay $0x3  }
0x33: {  	p0 =	seq.s32 s10, $0x1;
	s10 =	sld [smem:$0x3FBB];
	_ =	sdelay $0x3  }
0x34: {  	[smem:$0x3FBB] =	sst s10  }
0x35: {  	s10 =	sld [smem:$0x3FBA];
	_ =	sdelay $0x3  }
0x36: {  	p1 =	seq.s32 s10, $0x1;
	s10 =	sld [smem:$0x3FBB];
	_ =	sdelay $0x3  }
0x37: {  	[smem:$0x3FBB] =	sst s10  }
0x38: {  	s10 =	sld [smem:$0x3FBC]  }
0x39: {  	_ = 	snop;
	(pc) =	sbr.ind lr, $3  }
0x3a: {  	_ = 	snop  }
0x3b: {  	_ = 	snop  }
0x3c: {  	p2 =	seq.s32 s10, $0x1;
	s10 =	sld [smem:$0x3FBB]  }
0x3d: {  	_ =	shalt  }
0x3e: {  	_ =	shalt  }
0x3f: {  	_ =	shalt  }
0x40: {  	_ =	shalt  }
0x41: {  	_ =	shalt  }
0x42: {  	_ =	shalt  }
0x43: {  	_ =	shalt  }
0x44: {  	_ =	shalt  }
0x45: {  	_ =	shalt  }
0x46: {  	_ =	shalt  }
0x47: {  	_ =	shalt  }
0x48: {  	_ =	shalt  }
0x49: {  	_ =	shalt  }
0x4a: {  	_ =	shalt  }
0x4b: {  	_ =	shalt  }
0x4c: {  	_ =	shalt  }
0x4d: {  	_ =	shalt  }
0x4e: {  	_ =	shalt  }
0x4f: {  	_ =	shalt  }
0x50: {  	_ =	shalt  }
0x51: {  	_ =	shalt  }
0x52: {  	_ =	shalt  }
0x53: {  	_ =	shalt  }
0x54: {  	_ =	shalt  }
0x55: {  	_ =	shalt  }
0x56: {  	_ =	shalt  }
0x57: {  	_ =	shalt  }
0x58: {  	_ =	shalt  }
0x59: {  	_ =	shalt  }
0x5a: {  	_ =	shalt  }
0x5b: {  	_ =	shalt  }
0x5c: {  	_ =	shalt  }
0x5d: {  	_ =	shalt  }
0x5e: {  	_ =	shalt  }
0x5f: {  	_ =	shalt  }
0x60: {  	_ =	shalt  }
0x61: {  	_ =	shalt  }
0x62: {  	_ =	shalt  }
0x63: {  	_ =	shalt  }
0x64: {  	_ =	shalt  }
0x65: {  	_ =	shalt  }
0x66: {  	_ =	shalt  }
0x67: {  	_ =	shalt  }
0x68: {  	_ =	shalt  }
0x69: {  	_ =	shalt  }
0x6a: {  	_ =	shalt  }
0x6b: {  	_ =	shalt  }
0x6c: {  	_ =	shalt  }
0x6d: {  	_ =	shalt  }
0x6e: {  	_ =	shalt  }
0x6f: {  	_ =	shalt  }
0x70: {  	_ =	shalt  }
0x71: {  	_ =	shalt  }
0x72: {  	_ =	shalt  }
0x73: {  	_ =	shalt  }
0x74: {  	_ =	shalt  }
0x75: {  	_ =	shalt  }
0x76: {  	_ =	shalt  }
0x77: {  	_ =	shalt  }
0x78: {  	_ =	shalt  }
0x79: {  	_ =	shalt  }
0x7a: {  	_ =	shalt  }
0x7b: {  	_ =	shalt  }
0x7c: {  	_ =	shalt  }
0x7d: {  	_ =	shalt  }
0x7e: {  	_ =	shalt  }
0x7f: {  	_ =	shalt  }
0x80: {  	_ =	shalt  }
0x81: {  	_ =	shalt  }
0x82: {  	_ =	shalt  }
0x83: {  	_ =	shalt  }
0x84: {  	_ =	shalt  }
0x85: {  	_ =	shalt  }
0x86: {  	_ =	shalt  }
0x87: {  	_ =	shalt  }
.Lfunc_end0:
.L_simem_size_0:
called_computation_lowered:
.L_overlay_start_0:
0x88: {  	s2 =	sld [smem:$0x3FD9]  }
0x89: {  	s3 =	sld [smem:$0x3FFE];
	_ =	sdelay $0x1  }
0x8a: {  	s1 =	srdreg.scid  }
0x8b: {  	s0 =	sand.u32 $0x1, s1  }
0x8c: {  	s17 =	sshll.u32 s0, $0xA;
	s2 =	sadd.s32 s3, s2  }
0x8d: {  	s2 =	sadd.s32 s2, s17  }
0x8e: {  	[smem:$0x3FC7] =	sst s2  }
0x8f: {  	_ = 	snop  }
0x90: {  	s2 =	sld [smem:$0x3FD0];
	(tm) =	ssettm $0x1  }
0x91: {  	s18 =	sld [smem:$0x3FFB];
	_ =	sdelay $0x3  }
0x92: {  	_ =	strace s18  }
0x93: {  	s3 =	sld [smem:$0x3FFC];
	_ =	sdelay $0x3  }
0x94: {  	_ =	strace s3  }
0x95: {  	s3 =	sld [smem:$0x3FFD];
	_ =	sdelay $0x3  }
0x96: {  	_ =	strace s3  }
0x97: {  	_ =	strace $0x8FFFFFFF  }
0x98: {  	s19 =	sld [smem:$0x3FDB];
	_ =	sdelay $0x1  }
0x99: {  	s4 =	simm.s32 $_scs_section_size  }
0x9a: {  	s5 =	simm.s32 $_size__tile_overlayer_lowered;
	s6 =	simm.s32 $_tile_overlayer_lowered  }
0x9b: {  	s22 =	simm.s32 $0x1BFF;
	s21 =	sshll.u32 s6, $0x1;
	s3 =	sadd.s32 s4, s19  }
0x9c: {  	s7 =	simm.s32 $0x0;
	s20 =	sshll.u32 s5, $0x1;
	s5 =	sadd.s32 s21, s3  }
0x9d: {  	[timem:s7], [sflag:s22] =	dma.local [hbm:s5], s20  }
0x9e: {  	_ =	swait.ge [sflag:s22], s20  }
0x9f: {  	s4 =	ssub.s32 $0x0, s20;
	[sflag:s22] =	ssyncset.done $0x0  }
0xa0: {  	[sflag:s22] =	ssyncadd.s32 s4;
	_ =	sdelay $0x1  }
0xa1: {  	s23 =	simm.s32 $0x1B8B  }
0xa2: {  	_ =	swait.ge [sflag:s23], $0x1  }
0xa3: {  	[sflag:s23] =	ssyncset.done $0x0  }
0xa4: {  	s25 =	simm.s32 $0x1B8E;
	s24 =	sld [smem:$0x3FFE];
	[sflag:s23] =	ssyncadd.s32 $0xFFFFFFFF  }
0xa5: {  	s26 =	simm.s32 $execute0_lowered;
	[smem:$0x3FD2] =	sst s25  }
0xa6: {  	s5 =	sshll.u32 s26, $0x1;
	_ =	strace $0x80000046;
	[dreg:$0x1] =	wrdreg $0xFFFFFFFF  }
0xa7: {  	s28 =	simm.s32 $_size_execute0_lowered;
	s3 =	sadd.s32 s3, s5;
	[dreg:$0x0] =	wrdreg $0x0  }
0xa8: {  	s5 =	sshll.u32 s28, $0x1;
	[dreg:$0x2] =	wrdreg s3  }
0xa9: {  	[dreg:$0x3] =	wrdreg s5  }
0xaa: {  	[dreg:$0x4] =	wrdreg $0xC0  }
0xab: {  	_ =	task [dreg:s7], $0x5FFFF  }
0xac: {  	[dreg:$0x1] =	wrdreg $0xFFFFFFFF  }
0xad: {  	[dreg:$0x0] =	wrdreg $0x60  }
0xae: {  	[dreg:$0x2] =	wrdreg s24  }
0xaf: {  	[dreg:$0x3] =	wrdreg s2  }
0xb0: {  	[dreg:$0x4] =	wrdreg $0x9  }
0xb1: {  	_ =	task.clear_ibuf [dreg:s7], $0x5FFFF;
	_ =	strace $0x90000046  }
0xb2: {  	s29 =	simm.s32 $0x9;
	_ =	strace $0x80000048  }
0xb3: {  	_ =	swait.ge [sflag:s29], $0x1  }
0xb4: {  	[sflag:s29] =	ssyncadd.s32 $0xFFFFFFFF  }
0xb5: {  	_ =	strace $0x90000048  }
0xb6: {  	_ =	sfence  }
0xb7: {  	s30 =	sld [smem:$0x0];
	_ =	sdelay $0x2  }
0xb8: {  	s31 =	sshll.u32 s1, $0xD;
	s1 =	sshrl.u32 s1, $0x2  }
0xb9: {  	s3 =	sand.u32 $0x4000, s31;
	s1 =	sadd.s32 s1, s30  }
0xba: {  	s0 =	sor.u32 s3, s0;
	s1 =	sshll.u32 s1, $0x11  }
0xbb: {  	s0 =	sor.u32 s1, s0  }
0xbc: {  	s0 =	sadd.s32 $0x8F2B, s0  }
0xbd: {  	[sflag:s0] =	ssyncadd.remote.s32 $0x1  }
0xbe: {  	_ =	sfence.sel $0xFFFF  }
0xbf: {  	[dreg:$0x0] =	wrdreg $0xFFFFFFFF;
	(pc) =	sbr.abs _section_cstart, $3  }
0xc0: {  	[dreg:$0x1] =	wrdreg $0xFFFFFFFF  }
0xc1: {  	_ =	task.clear_ibuf [dreg:s7], $0x2FFFF;
	_ =	strace $0x9FFFFFFF  }
0xc2: {  	(tm) =	ssettm $0x7FFFFFFF  }
0xc3: {  	_ =	shalt  }
tec
execute0_lowered:
.L_overlay_start_1:
0x0: {  	(tag) =	ssettag $0x1  }
0x1: {  	s4 =	rddreg [dreg:$0x0]  }
0x2: {  	s2 =	rddreg [dreg:$0x1]  }
0x3: {  	s3 =	srdreg.scid;
	s0 =	rddreg [dreg:$0x2]  }
0x4: {  	s1 =	stileid.u32;
	s11 =	simm.s32 $0x1000;
	s12 =	simm.s32 $0x7400  }
0x5: {  	s13 =	simm.s32 $0x1;
	s14 =	simm.s32 $0x2;
	s15 =	simm.s32 $0x0  }
0x6: {  	s24 =	simm.s32 $0x0;
	s5 =	sand.u32 $0x1, s3;
	s3 =	simm.s32 $0x0  }
0x7: {  	s6 =	sshll.u32 s1, $0xA;
	s28 =	sshll.u32 s1, $0xB;
	s9 =	sshll.u32 s1, $0x8  }
0x8: {  	s7 =	sshll.u32 s5, $0x9;
	[smem:$0x7FF] =	sst s3;
	s25 =	ssub.s32 $0x2, s5  }
0x9: {  	s8 =	sshll.u32 s5, $0xA;
	s29 =	sadd.s32 s9, s2;
	s30 =	sshll.u32 s5, $0x7  }
0xa: {  	s6 =	sor.u32 s7, s6;
	_ =	strace $0x80000047;
	s26 =	sshrl.u32 s25, $0x1  }
0xb: {  	s8 =	sor.u32 s8, s28;
	s4 =	sadd.s32 s6, s4;
	s6 =	ssub.s32 s25, s26  }
0xc: {  	s10 =	sor.u32 $0x258000, s8;
	s8 =	sor.u32 $0x190000, s8;
	s4 =	sadd.s32 $0x400, s4  }
0xd: {  	s5 =	smax.u32 s6, $0x1;
	s6 =	sadd.s32 s30, s29;
	s31 =	sshrl.u32 s10, $0x3  }
0xe: {  	v0 =	vimm.s32 $0x0;
	v1 =	vlaneseq.u32;
	v2 =	vimm.s32 $0x1;
	s10 =	simm.s32 $0x3;
	s7 =	sadd.s32 $0x19000, s6;
	s9 =	sadd.s32 s31, s2  }
.LBB2_1:
0xf: {  	[tilespmem:s3], [sflag:$0x3] =	stream.linear.gather [hbm4b:s4+s3], $0x1000, $0x38;
	[tilespmem:$0xD800] =	vst v63  }
0x10: {  	_ =	swait.ge [sflag:s10], $0x1000  }
0x11: {  	[sflag:s10] =	ssyncset.done $0x0  }
0x12: {  	s16 =	simm.s32 $0x0;
	s17 =	simm.s32 $0x200;
	[sflag:s10] =	ssyncadd.s32 $0xFFFFF000  }
.LBB2_2:
0x13: {  	p0 =	sne.s32 s17, $0x18E00;
	[tilespmem:s16+$0x7470] =	vst v0  }
0x14: {  	[tilespmem:s16+$0x1000] =	vst v0  }
0x15: {  	[tilespmem:s16+$0x7400] =	vst v0  }
0x16: {  	[tilespmem:s16+$0x1010] =	vst v0  }
0x17: {  	[tilespmem:s16+$0x7410] =	vst v0  }
0x18: {  	[tilespmem:s16+$0x1020] =	vst v0  }
0x19: {  	[tilespmem:s16+$0x7420] =	vst v0  }
0x1a: {  	[tilespmem:s16+$0x1030] =	vst v0  }
0x1b: {  	[tilespmem:s16+$0x7430] =	vst v0  }
0x1c: {  	[tilespmem:s16+$0x1040] =	vst v0  }
0x1d: {  	[tilespmem:s16+$0x7440] =	vst v0  }
.Ltmp0:
0x1e: {  	[tilespmem:s16+$0x1050] =	vst v0;
	(pc) =	sbr.rel @p0 .LBB2_2-.Ltmp0, $4  }
0x1f: {  	[tilespmem:s16+$0x7450] =	vst v0  }
0x20: {  	[tilespmem:s16+$0x1060] =	vst v0  }
0x21: {  	[tilespmem:s16+$0x7460] =	vst v0  }
0x22: {  	[tilespmem:s16+$0x1070] =	vst v0;
	s16 =	sshra.s32 s17, $0x2;
	s17 =	sadd.s32 $0x200, s17  }
0x23: {  	[tilespmem:s16+$0x7470] =	vst v0  }
0x24: {  	[tilespmem:s16+$0x1000] =	vst v0  }
0x25: {  	[tilespmem:s16+$0x7400] =	vst v0  }
0x26: {  	[tilespmem:s16+$0x1010] =	vst v0  }
0x27: {  	[tilespmem:s16+$0x7410] =	vst v0  }
0x28: {  	[tilespmem:s16+$0x1020] =	vst v0  }
0x29: {  	[tilespmem:s16+$0x7420] =	vst v0  }
0x2a: {  	[tilespmem:s16+$0x1030] =	vst v0  }
0x2b: {  	[tilespmem:s16+$0x7430] =	vst v0  }
0x2c: {  	s17 =	simm.s32 $0x0;
	[tilespmem:s16+$0x1040] =	vst v0  }
0x2d: {  	[tilespmem:s16+$0x7440] =	vst v0;
	v4 =	vor.u32 s17, v1  }
0x2e: {  	[tilespmem:s16+$0x1050] =	vst v0;
	v3 =	vshll.u32 v4, $0x5  }
0x2f: {  	[tilespmem:s16+$0x7450] =	vst v0  }
0x30: {  	[tilespmem:s16+$0x1060] =	vst v0  }
0x31: {  	[tilespmem:s16+$0x7460] =	vst v0  }
0x32: {  	[tilespmem:s16+$0x1070] =	vst v0  }
0x33: {  	v3 =	vld.idx.msk [tilespmem:v3+s17+$0x0], $0xffff;
	_ =	sdelay $0x4  }
0x34: {  	s31 =	simm.s32 $0x10;
	v5 =	vshll.u32 v3, $0x7;
	vm0 =	vlt.u32 v3, $0xC8  }
0x35: {  	s16 =	simm.s32 $0x20;
	v3 =	vor.u32 s31, v1;
	v4 =	vadd.s32 v4, v5  }
.LBB2_4:
0x36: {  	p0 =	sne.s32 s16, $0x70;
	v5 =	vshll.u32 v3, $0x5;
	_ =	sdelay $0x3  }
0x37: {  	[tilespmem:v4+s11+$0x0] =	vst.idx.msk vm0, v2  }
0x38: {  	v4 =	vld.idx.msk [tilespmem:v5+s17+$0x0], $0xffff;
	_ =	sdelay $0x2  }
.Ltmp1:
0x39: {  	(pc) =	sbr.rel @p0 .LBB2_4-.Ltmp1, $3  }
0x3a: {  	_ =	sdelay $0x1  }
0x3b: {  	vm0 =	vlt.u32 v4, $0xC8;
	v4 =	vshll.u32 v4, $0x7  }
0x3c: {  	v4 =	vadd.s32 v3, v4;
	v3 =	vor.u32 s16, v1;
	s16 =	sadd.s32 $0x10, s16  }
0x3d: {  	_ = 	snop  }
0x3e: {  	v5 =	vshll.u32 v3, $0x5;
	_ =	sdelay $0x3  }
0x3f: {  	[tilespmem:v4+s11+$0x0] =	vst.idx.msk vm0, v2  }
0x40: {  	v4 =	vld.idx.msk [tilespmem:v5+s17+$0x0], $0xffff;
	_ =	sdelay $0x4  }
0x41: {  	vm15 =	vlt.u32 v4, $0xC8;
	v4 =	vshll.u32 v4, $0x7  }
0x42: {  	v3 =	vadd.s32 v3, v4;
	_ =	sdelay $0x3  }
0x43: {  	s18 =	sadd.s32 $0x0, s6  }
0x44: {  	s19 =	simm.s32 $0x1000;
	s16 =	simm.s32 $0x0;
	s17 =	simm.s32 $0x1000;
	[tilespmem:v3+s11+$0x0] =	vst.idx.msk vm15, v2  }
.LBB2_6:
0x45: {  	[hbm4b:s18+s16] =	stream.linear.scatter [tilespmem:s19], [sflag:$0x1], $0x400, $0x38;
	[tilespmem:$0xD800] =	vst v63  }
0x46: {  	s18 =	smov.u32 s17;
	p0 =	sne.s32 s17, $0x18000  }
.Ltmp2:
0x47: {  	s17 =	sadd.s32 $0x1000, s17;
	(pc) =	sbr.rel @p0 .LBB2_6-.Ltmp2, $3  }
0x48: {  	_ =	sdelay $0x1  }
0x49: {  	s19 =	sshra.s32 s18, $0x2  }
0x4a: {  	s18 =	sadd.s32 s18, s6;
	s19 =	sadd.s32 $0x1000, s19  }
0x4b: {  	v4 =	vor.u32 s16, v1  }
0x4c: {  	v3 =	vshll.u32 v4, $0x5;
	_ =	sdelay $0x3  }
0x4d: {  	[hbm4b:s18+s16] =	stream.linear.scatter [tilespmem:s19], [sflag:$0x1], $0x400, $0x38;
	[tilespmem:$0xD800] =	vst v63  }
0x4e: {  	v3 =	vld.idx.msk [tilespmem:v3+s16+$0x0], $0xffff;
	_ =	sdelay $0x4  }
0x4f: {  	v5 =	vshra.s32 v3, $0x3  }
0x50: {  	v3 =	vshll.u32 v3, $0x7;
	v5 =	vadd.s32 $0xFFFFFFE7, v5  }
0x51: {  	s17 =	simm.s32 $0x10;
	v6 =	vadd.s32 $0xFFFF9C00, v3;
	vm0 =	vlt.u32 v5, $0x19  }
0x52: {  	v3 =	vor.u32 s17, v1;
	s17 =	simm.s32 $0x20;
	v4 =	vadd.s32 v4, v6  }
.LBB2_8:
0x53: {  	p0 =	sne.s32 s17, $0x70;
	v5 =	vshll.u32 v3, $0x5;
	_ =	sdelay $0x3  }
0x54: {  	[tilespmem:v4+s12+$0x0] =	vst.idx.msk vm0, v2  }
0x55: {  	v4 =	vld.idx.msk [tilespmem:v5+s16+$0x0], $0xffff;
	_ =	sdelay $0x4  }
.Ltmp3:
0x56: {  	(pc) =	sbr.rel @p0 .LBB2_8-.Ltmp3, $4  }
0x57: {  	v5 =	vshra.s32 v4, $0x3  }
0x58: {  	v4 =	vshll.u32 v4, $0x7;
	v5 =	vadd.s32 $0xFFFFFFE7, v5  }
0x59: {  	v4 =	vadd.s32 $0xFFFF9C00, v4;
	vm0 =	vlt.u32 v5, $0x19  }
0x5a: {  	v4 =	vadd.s32 v3, v4;
	v3 =	vor.u32 s17, v1;
	s17 =	sadd.s32 $0x10, s17  }
0x5b: {  	_ = 	snop  }
0x5c: {  	v5 =	vshll.u32 v3, $0x5;
	_ =	sdelay $0x3  }
0x5d: {  	[tilespmem:v4+s12+$0x0] =	vst.idx.msk vm0, v2  }
0x5e: {  	v4 =	vld.idx.msk [tilespmem:v5+s16+$0x0], $0xffff;
	_ =	sdelay $0x4  }
0x5f: {  	v5 =	vshra.s32 v4, $0x3  }
0x60: {  	v4 =	vshll.u32 v4, $0x7;
	v5 =	vadd.s32 $0xFFFFFFE7, v5  }
0x61: {  	v4 =	vadd.s32 $0xFFFF9C00, v4;
	vm15 =	vlt.u32 v5, $0x19  }
0x62: {  	v3 =	vadd.s32 v3, v4;
	_ =	sdelay $0x4  }
0x63: {  	[tilespmem:v3+s12+$0x0] =	vst.idx.msk vm15, v2  }
.LBB2_10:
0x64: {  	p0 =	sne.s32 s16, $0x18000  }
.Ltmp4:
0x65: {  	_ = 	snop;
	(pc) =	sbr.rel @p0 .LBB2_10-.Ltmp4, $4  }
0x66: {  	_ = 	snop  }
0x67: {  	s17 =	sshra.s32 s16, $0x2  }
0x68: {  	s18 =	sadd.s32 s16, s7;
	s16 =	sadd.s32 $0x1000, s16;
	s17 =	sadd.s32 $0x7400, s17  }
0x69: {  	[hbm4b:s18+s3] =	stream.linear.scatter [tilespmem:s17], [sflag:$0x2], $0x400, $0x38;
	[tilespmem:$0xD800] =	vst v63  }
0x6a: {  	s16 =	simm.s32 $0x1;
	s17 =	smov.u32 s9;
	s18 =	smov.u32 s8  }
.LBB2_12:
0x6b: {  	s19 =	sshll.u32 s16, $0x1  }
0x6c: {  	s20 =	sadd.s32 $0xFFFFFFFE, s19  }
0x6d: {  	s21 =	sand.u32 $0xFE, s20  }
0x6e: {  	s21 =	smul.u32 $0xCD, s21;
	_ =	sdelay $0x1  }
0x6f: {  	s21 =	sshrl.u32 s21, $0xA  }
0x70: {  	s22 =	smul.u32 $0x5, s21;
	_ =	sdelay $0x1  }
0x71: {  	s20 =	ssub.s32 s20, s22  }
0x72: {  	s22 =	sand.u32 $0xFF, s20  }
0x73: {  	p0 =	slt.u32 s16, $0x2;
	p1 =	sne.s32 s22, $0x0  }
0x74: {  	p0 =	por !p0, !p1  }
0x75: {  	s22 =	simm.s32 $0x1;
	p0 =	por !p0, !p0  }
0x76: {  	s23 =	simm.s32 $0x0;
	s22 =	simm.s32 @!p0 $0x0  }
0x77: {  	v4 =	vor.u32 s23, v1;
	s21 =	ssub.s32 s21, s22  }
0x78: {  	v5 =	vshll.u32 v4, $0x5;
	v3 =	vmov s21  }
0x79: {  	v5 =	vadd.s32 v3, v5;
	_ =	sdelay $0x1  }
0x7a: {  	_ =	swait.ge [sflag:s13], $0x6400  }
0x7b: {  	[sflag:s13] =	ssyncset.done $0x0  }
0x7c: {  	[sflag:s13] =	ssyncadd.s32 $0xFFFF9C00  }
0x7d: {  	v7 =	vld.idx.msk [tilespmem:v5+s3+$0x0], $0xffff  }
0x7e: {  	s20 =	smul.u32 $0x19, s20;
	_ =	sdelay $0x1  }
0x7f: {  	s20 =	sand.u32 $0xFF, s20  }
0x80: {  	s29 =	sadd.s32 $0x19, s20  }
0x81: {  	v6 =	vmov s20;
	v5 =	vmov s29;
	v8 =	vshra.s32 v7, $0x3  }
0x82: {  	v7 =	vshll.u32 v7, $0x7;
	vm0 =	vge.s32 v8, v6;
	v9 =	vsub.s32 v8, v6  }
0x83: {  	s30 =	sshrl.u32 s18, $0x3;
	s31 =	simm.s32 $0x10;
	vm1 =	vlt.s32 v8, v5;
	v8 =	vshll.u32 v9, $0xA;
	v9 =	vand.u32 $0x380, v7  }
0x84: {  	s20 =	sadd.s32 s30, s2;
	s21 =	simm.s32 $0x20;
	v7 =	vor.u32 s31, v1;
	vm0 =	vmand vm0, vm1;
	v8 =	vor.u32 v9, v8  }
.LBB2_13:
0x85: {  	p0 =	sne.s32 s21, $0x70;
	v9 =	vshll.u32 v7, $0x5;
	v8 =	vadd.s32 v4, v8;
	v4 =	vmov v7  }
0x86: {  	v7 =	vadd.s32 v3, v9;
	_ =	sdelay $0x3  }
0x87: {  	[tilespmem:v8+s11+$0x0] =	vst.idx.msk vm0, v0  }
0x88: {  	v7 =	vld.idx.msk [tilespmem:v7+s3+$0x0], $0xffff;
	_ =	sdelay $0x4  }
.Ltmp5:
0x89: {  	(pc) =	sbr.rel @p0 .LBB2_13-.Ltmp5, $4  }
0x8a: {  	v8 =	vshra.s32 v7, $0x3  }
0x8b: {  	v7 =	vshll.u32 v7, $0x7;
	vm0 =	vge.s32 v8, v6;
	v9 =	vsub.s32 v8, v6  }
0x8c: {  	vm1 =	vlt.s32 v8, v5;
	v8 =	vshll.u32 v9, $0xA;
	v9 =	vand.u32 $0x380, v7  }
0x8d: {  	v7 =	vor.u32 s21, v1;
	s21 =	sadd.s32 $0x10, s21;
	vm0 =	vmand vm0, vm1;
	v8 =	vor.u32 v9, v8  }
0x8e: {  	v9 =	vshll.u32 v7, $0x5;
	v4 =	vadd.s32 v4, v8  }
0x8f: {  	v3 =	vadd.s32 v3, v9;
	_ =	sdelay $0x3  }
0x90: {  	[tilespmem:v4+s11+$0x0] =	vst.idx.msk vm0, v0  }
0x91: {  	v3 =	vld.idx.msk [tilespmem:v3+s3+$0x0], $0xffff;
	_ =	sdelay $0x4  }
0x92: {  	v4 =	vshra.s32 v3, $0x3  }
0x93: {  	s22 =	smulhi.u32 $0x66666667, s19;
	v3 =	vshll.u32 v3, $0x7;
	vm0 =	vge.s32 v4, v6;
	v6 =	vsub.s32 v4, v6  }
0x94: {  	s21 =	simm.s32 $0x0;
	vm1 =	vlt.s32 v4, v5;
	v3 =	vand.u32 $0x380, v3;
	v4 =	vshll.u32 v6, $0xA  }
0x95: {  	s22 =	sshrl.u32 s22, $0x1;
	vm0 =	vmand vm0, vm1;
	v4 =	vor.u32 v3, v4;
	v3 =	vor.u32 s21, v1  }
0x96: {  	v5 =	vadd.s32 v7, v4;
	v4 =	vmov s22;
	v6 =	vshll.u32 v3, $0x5  }
0x97: {  	v6 =	vadd.s32 v4, v6;
	_ =	sdelay $0x3  }
0x98: {  	s22 =	smul.u32 $0x5, s22;
	[tilespmem:v5+s11+$0x0] =	vst.idx.msk vm0, v0  }
0x99: {  	v7 =	vld.idx.msk [tilespmem:v6+s21+$0x0], $0xffff  }
0x9a: {  	s22 =	ssub.s32 s19, s22  }
0x9b: {  	s22 =	smul.u32 $0x19, s22;
	_ =	sdelay $0x1  }
0x9c: {  	s23 =	sadd.s32 $0x19, s22  }
0x9d: {  	v6 =	vmov s22;
	v5 =	vmov s23;
	v8 =	vshra.s32 v7, $0x3  }
0x9e: {  	v7 =	vshll.u32 v7, $0x7;
	vm0 =	vge.s32 v8, v6;
	v9 =	vsub.s32 v8, v6  }
0x9f: {  	s31 =	simm.s32 $0x10;
	vm1 =	vlt.s32 v8, v5;
	v8 =	vshll.u32 v9, $0xA;
	v9 =	vand.u32 $0x380, v7  }
0xa0: {  	s22 =	simm.s32 $0x20;
	v7 =	vor.u32 s31, v1;
	vm0 =	vmand vm0, vm1;
	v8 =	vor.u32 v9, v8  }
.LBB2_15:
0xa1: {  	p0 =	sne.s32 s22, $0x70;
	v9 =	vshll.u32 v7, $0x5;
	v8 =	vadd.s32 v3, v8;
	v3 =	vmov v7  }
0xa2: {  	v7 =	vadd.s32 v4, v9;
	_ =	sdelay $0x3  }
0xa3: {  	[tilespmem:v8+s11+$0x0] =	vst.idx.msk vm0, v2  }
0xa4: {  	v7 =	vld.idx.msk [tilespmem:v7+s21+$0x0], $0xffff;
	_ =	sdelay $0x4  }
.Ltmp6:
0xa5: {  	(pc) =	sbr.rel @p0 .LBB2_15-.Ltmp6, $4  }
0xa6: {  	v8 =	vshra.s32 v7, $0x3  }
0xa7: {  	v7 =	vshll.u32 v7, $0x7;
	vm0 =	vge.s32 v8, v6;
	v9 =	vsub.s32 v8, v6  }
0xa8: {  	vm1 =	vlt.s32 v8, v5;
	v8 =	vshll.u32 v9, $0xA;
	v9 =	vand.u32 $0x380, v7  }
0xa9: {  	v7 =	vor.u32 s22, v1;
	s22 =	sadd.s32 $0x10, s22;
	vm0 =	vmand vm0, vm1;
	v8 =	vor.u32 v9, v8  }
0xaa: {  	v9 =	vshll.u32 v7, $0x5;
	v3 =	vadd.s32 v3, v8  }
0xab: {  	v4 =	vadd.s32 v4, v9;
	_ =	sdelay $0x3  }
0xac: {  	[tilespmem:v3+s11+$0x0] =	vst.idx.msk vm0, v2  }
0xad: {  	v3 =	vld.idx.msk [tilespmem:v4+s21+$0x0], $0xffff;
	_ =	sdelay $0x4  }
0xae: {  	v4 =	vshra.s32 v3, $0x3  }
0xaf: {  	v3 =	vshll.u32 v3, $0x7;
	vm15 =	vge.s32 v4, v6;
	v62 =	vsub.s32 v4, v6  }
0xb0: {  	vm1 =	vlt.s32 v4, v5;
	v3 =	vand.u32 $0x380, v3;
	v63 =	vshll.u32 v62, $0xA  }
0xb1: {  	vm0 =	vmand vm15, vm1;
	v3 =	vor.u32 v3, v63  }
0xb2: {  	v3 =	vadd.s32 v7, v3;
	_ =	sdelay $0x4  }
0xb3: {  	s22 =	sadd.s32 $0x0, s20;
	s23 =	simm.s32 $0x1000;
	s21 =	simm.s32 $0x1000;
	[tilespmem:v3+s11+$0x0] =	vst.idx.msk vm0, v2  }
.LBB2_17:
0xb4: {  	[hbm4b:s22+s3] =	stream.linear.scatter [tilespmem:s23], [sflag:$0x1], $0x400, $0x38;
	[tilespmem:$0xD800] =	vst v63  }
0xb5: {  	s22 =	smov.u32 s21;
	p0 =	sne.s32 s21, $0x18000  }
.Ltmp7:
0xb6: {  	s21 =	sadd.s32 $0x1000, s21;
	(pc) =	sbr.rel @p0 .LBB2_17-.Ltmp7, $3  }
0xb7: {  	_ =	sdelay $0x1  }
0xb8: {  	s23 =	sshra.s32 s22, $0x2  }
0xb9: {  	s22 =	sadd.s32 s22, s20;
	s23 =	sadd.s32 $0x1000, s23  }
0xba: {  	s20 =	sadd.s32 $0xFFFFFFFF, s19  }
0xbb: {  	s21 =	smulhi.u32 $0xCCCCCCCD, s20;
	_ =	sdelay $0x1  }
0xbc: {  	v3 =	vor.u32 s24, v1;
	s21 =	sshrl.u32 s21, $0x2  }
0xbd: {  	v5 =	vshll.u32 v3, $0x5;
	v4 =	vmov s21  }
0xbe: {  	v5 =	vadd.s32 v4, v5  }
0xbf: {  	[hbm4b:s22+s3] =	stream.linear.scatter [tilespmem:s23], [sflag:$0x1], $0x400, $0x38;
	[tilespmem:$0xD800] =	vst v63  }
0xc0: {  	_ =	swait.ge [sflag:s14], $0x6400  }
0xc1: {  	[sflag:s14] =	ssyncset.done $0x0  }
0xc2: {  	[sflag:s14] =	ssyncadd.s32 $0xFFFF9C00;
	s21 =	smul.u32 $0x5, s21  }
0xc3: {  	v7 =	vld.idx.msk [tilespmem:v5+s3+$0x0], $0xffff  }
0xc4: {  	s20 =	ssub.s32 s20, s21  }
0xc5: {  	s20 =	smul.u32 $0x19, s20;
	_ =	sdelay $0x1  }
0xc6: {  	s30 =	sadd.s32 $0x19, s20  }
0xc7: {  	v6 =	vmov s20;
	v5 =	vmov s30;
	v8 =	vshra.s32 v7, $0x3  }
0xc8: {  	v7 =	vshll.u32 v7, $0x7;
	vm0 =	vge.s32 v8, v6;
	v9 =	vsub.s32 v8, v6  }
0xc9: {  	s31 =	simm.s32 $0x10;
	vm1 =	vlt.s32 v8, v5;
	v8 =	vshll.u32 v9, $0xA;
	v9 =	vand.u32 $0x380, v7  }
0xca: {  	s20 =	simm.s32 $0x20;
	v7 =	vor.u32 s31, v1;
	vm0 =	vmand vm0, vm1;
	v8 =	vor.u32 v9, v8  }
.LBB2_19:
0xcb: {  	p0 =	sne.s32 s20, $0x70;
	v9 =	vshll.u32 v7, $0x5;
	v8 =	vadd.s32 v3, v8;
	v3 =	vmov v7  }
0xcc: {  	v7 =	vadd.s32 v4, v9;
	_ =	sdelay $0x3  }
0xcd: {  	[tilespmem:v8+s12+$0x0] =	vst.idx.msk vm0, v0  }
0xce: {  	v7 =	vld.idx.msk [tilespmem:v7+s3+$0x0], $0xffff;
	_ =	sdelay $0x4  }
.Ltmp8:
0xcf: {  	(pc) =	sbr.rel @p0 .LBB2_19-.Ltmp8, $4  }
0xd0: {  	v8 =	vshra.s32 v7, $0x3  }
0xd1: {  	v7 =	vshll.u32 v7, $0x7;
	vm0 =	vge.s32 v8, v6;
	v9 =	vsub.s32 v8, v6  }
0xd2: {  	vm1 =	vlt.s32 v8, v5;
	v8 =	vshll.u32 v9, $0xA;
	v9 =	vand.u32 $0x380, v7  }
0xd3: {  	v7 =	vor.u32 s20, v1;
	s20 =	sadd.s32 $0x10, s20;
	vm0 =	vmand vm0, vm1;
	v8 =	vor.u32 v9, v8  }
0xd4: {  	v9 =	vshll.u32 v7, $0x5;
	v3 =	vadd.s32 v3, v8  }
0xd5: {  	v4 =	vadd.s32 v4, v9;
	_ =	sdelay $0x3  }
0xd6: {  	[tilespmem:v3+s12+$0x0] =	vst.idx.msk vm0, v0  }
0xd7: {  	v3 =	vld.idx.msk [tilespmem:v4+s3+$0x0], $0xffff;
	_ =	sdelay $0x4  }
0xd8: {  	s20 =	sor.u32 $0x1, s19;
	v4 =	vshra.s32 v3, $0x3  }
0xd9: {  	s21 =	smulhi.u32 $0x66666667, s20;
	v3 =	vshll.u32 v3, $0x7;
	vm0 =	vge.s32 v4, v6;
	v6 =	vsub.s32 v4, v6  }
0xda: {  	s19 =	simm.s32 $0x0;
	vm1 =	vlt.s32 v4, v5;
	v3 =	vand.u32 $0x380, v3;
	v4 =	vshll.u32 v6, $0xA  }
0xdb: {  	s21 =	sshrl.u32 s21, $0x1;
	vm0 =	vmand vm0, vm1;
	v4 =	vor.u32 v3, v4;
	v3 =	vor.u32 s19, v1  }
0xdc: {  	v5 =	vadd.s32 v7, v4;
	v4 =	vmov s21;
	v6 =	vshll.u32 v3, $0x5  }
0xdd: {  	v6 =	vadd.s32 v4, v6;
	_ =	sdelay $0x3  }
0xde: {  	s21 =	smul.u32 $0x5, s21;
	[tilespmem:v5+s12+$0x0] =	vst.idx.msk vm0, v0  }
0xdf: {  	v7 =	vld.idx.msk [tilespmem:v6+s19+$0x0], $0xffff  }
0xe0: {  	s20 =	ssub.s32 s20, s21  }
0xe1: {  	s20 =	smul.u32 $0x19, s20;
	_ =	sdelay $0x1  }
0xe2: {  	s30 =	sadd.s32 $0x19, s20  }
0xe3: {  	v6 =	vmov s20;
	v5 =	vmov s30;
	v8 =	vshra.s32 v7, $0x3  }
0xe4: {  	v7 =	vshll.u32 v7, $0x7;
	vm0 =	vge.s32 v8, v6;
	v9 =	vsub.s32 v8, v6  }
0xe5: {  	s31 =	simm.s32 $0x10;
	vm1 =	vlt.s32 v8, v5;
	v8 =	vshll.u32 v9, $0xA;
	v9 =	vand.u32 $0x380, v7  }
0xe6: {  	s20 =	simm.s32 $0x20;
	v7 =	vor.u32 s31, v1;
	vm0 =	vmand vm0, vm1;
	v8 =	vor.u32 v9, v8  }
.LBB2_21:
0xe7: {  	p0 =	sne.s32 s20, $0x70;
	v9 =	vshll.u32 v7, $0x5;
	v8 =	vadd.s32 v3, v8;
	v3 =	vmov v7  }
0xe8: {  	v7 =	vadd.s32 v4, v9;
	_ =	sdelay $0x3  }
0xe9: {  	[tilespmem:v8+s12+$0x0] =	vst.idx.msk vm0, v2  }
0xea: {  	v7 =	vld.idx.msk [tilespmem:v7+s19+$0x0], $0xffff;
	_ =	sdelay $0x4  }
.Ltmp9:
0xeb: {  	(pc) =	sbr.rel @p0 .LBB2_21-.Ltmp9, $4  }
0xec: {  	v8 =	vshra.s32 v7, $0x3  }
0xed: {  	v7 =	vshll.u32 v7, $0x7;
	vm0 =	vge.s32 v8, v6;
	v9 =	vsub.s32 v8, v6  }
0xee: {  	vm1 =	vlt.s32 v8, v5;
	v8 =	vshll.u32 v9, $0xA;
	v9 =	vand.u32 $0x380, v7  }
0xef: {  	v7 =	vor.u32 s20, v1;
	s20 =	sadd.s32 $0x10, s20;
	vm0 =	vmand vm0, vm1;
	v8 =	vor.u32 v9, v8  }
0xf0: {  	v9 =	vshll.u32 v7, $0x5;
	v3 =	vadd.s32 v3, v8  }
0xf1: {  	v4 =	vadd.s32 v4, v9;
	_ =	sdelay $0x3  }
0xf2: {  	[tilespmem:v3+s12+$0x0] =	vst.idx.msk vm0, v2  }
0xf3: {  	v3 =	vld.idx.msk [tilespmem:v4+s19+$0x0], $0xffff;
	_ =	sdelay $0x4  }
0xf4: {  	v4 =	vshra.s32 v3, $0x3  }
0xf5: {  	v3 =	vshll.u32 v3, $0x7;
	vm15 =	vge.s32 v4, v6;
	v62 =	vsub.s32 v4, v6  }
0xf6: {  	vm1 =	vlt.s32 v4, v5;
	v3 =	vand.u32 $0x380, v3;
	v63 =	vshll.u32 v62, $0xA  }
0xf7: {  	vm0 =	vmand vm15, vm1;
	v3 =	vor.u32 v3, v63  }
0xf8: {  	v3 =	vadd.s32 v7, v3;
	_ =	sdelay $0x4  }
0xf9: {  	s20 =	sadd.s32 $0x0, s17;
	s21 =	simm.s32 $0x7400;
	s19 =	simm.s32 $0x1000;
	[tilespmem:v3+s12+$0x0] =	vst.idx.msk vm0, v2  }
.LBB2_23:
0xfa: {  	[hbm4b:s20+s3] =	stream.linear.scatter [tilespmem:s21], [sflag:$0x2], $0x400, $0x38;
	[tilespmem:$0xD800] =	vst v63  }
0xfb: {  	s20 =	smov.u32 s19;
	p0 =	sne.s32 s19, $0x18000  }
.Ltmp10:
0xfc: {  	s19 =	sadd.s32 $0x1000, s19;
	(pc) =	sbr.rel @p0 .LBB2_23-.Ltmp10, $3  }
0xfd: {  	_ =	sdelay $0x1  }
0xfe: {  	s21 =	sshra.s32 s20, $0x2  }
0xff: {  	s20 =	sadd.s32 s20, s17;
	s21 =	sadd.s32 $0x7400, s21  }
0x100: {  	s16 =	sadd.s32 $0x1, s16  }
0x101: {  	p0 =	sne.s32 s16, $0x41  }
.Ltmp11:
0x102: {  	_ = 	snop;
	(pc) =	sbr.rel @p0 .LBB2_12-.Ltmp11, $3  }
0x103: {  	_ =	sdelay $0x1  }
0x104: {  	[hbm4b:s20+s3] =	stream.linear.scatter [tilespmem:s21], [sflag:$0x2], $0x400, $0x38;
	[tilespmem:$0xD800] =	vst v63  }
0x105: {  	s18 =	sadd.s32 $0x190000, s18;
	s17 =	sadd.s32 $0x32000, s17  }
0x106: {  	s15 =	sadd.s32 $0x1, s15  }
0x107: {  	_ =	swait.ge [sflag:s13], $0x6400;
	p0 =	sne.s32 s15, s5  }
.Ltmp12:
0x108: {  	[sflag:s13] =	ssyncset.done $0x0;
	(pc) =	sbr.rel @p0 .LBB2_1-.Ltmp12, $4  }
0x109: {  	[sflag:s13] =	ssyncadd.s32 $0xFFFF9C00  }
0x10a: {  	_ =	swait.ge [sflag:s14], $0x6400  }
0x10b: {  	[sflag:s14] =	ssyncset.done $0x0  }
0x10c: {  	[sflag:s14] =	ssyncadd.s32 $0xFFFF9C00  }
0x10d: {  	_ =	sfence.sel $0x180000  }
0x10e: {  	[bflag:$0x0] =	sbarrier.arrive $0xFFFF  }
0x10f: {  	p0 =	sne.s32 s1, $0x0;
	_ =	strace $0x90000047  }
0x110: {  	s0 =	sadd.s32 @!p0 $0x100000, s0;
	[bflag:$0x2] =	sbarrier.arrive $0xFFFF  }
0x111: {  	[sflag:s0] =	ssyncadd.tile.s32 @!p0 $0x1;
	_ =	shalt  }
.Lfunc_end2:
_tile_overlayer_lowered:
.L_overlay_start_2:
0x112: {  	(tag) =	ssettag $0x2  }
0x113: {  	s0 =	rddreg [dreg:$0x0];
	s2 =	stileid.u32  }
0x114: {  	s1 =	rddreg [dreg:$0x1];
	p0 =	sne.s32 s2, $0x0  }
0x115: {  	s3 =	rddreg [dreg:$0x2];
	[bflag:$0x3] =	sbarrier.arrive $0xFFFF;
	s2 =	simm.s32 @!p0 $0x1C03  }
0x116: {  	[timem:s3], [sflag:s2] =	dma.local @!p0 [hbm:s0], s1  }
0x117: {  	s0 =	simm.s32 @!p0 $0x3  }
0x118: {  	_ =	swait.ge @!p0 [sflag:s0], s1  }
0x119: {  	s1 =	ssub.s32 @!p0 $0x0, s1;
	[sflag:s0] =	ssyncset.done @!p0 $0x0  }
0x11a: {  	[sflag:s0] =	ssyncadd.s32 @!p0 s1  }
0x11b: {  	[bflag:$0x3] =	sbarrier.arrive $0xFFFF  }
0x11c: {  	_ =	shalt  }

</sc_bundles>
